<compile_context>
chip_gen: v7x
topology: tpu7x:2x2x1
jax: 0.10.2.dev20260603
libtpu: 0.0.44.dev20260713+nightly
codegen_flags: <defaults>
</compile_context>

<pallas_src>
import jax
import jax.numpy as jnp
from jax import lax
from jax.experimental import pallas as pl
from jax.experimental.pallas import tpu as pltpu
from jax.experimental.pallas import tpu_sc as plsc

BATCH = 16384
EMBED_DIM = 64
ROW = 2 * EMBED_DIM
NUM_CORES = 2
NUM_SUBCORES = 16
NUM_TILES = NUM_CORES * NUM_SUBCORES
B_PER_TILE = BATCH // NUM_TILES
CHUNK = 128
NCHUNK = B_PER_TILE // CHUNK

REPACK_C = 12800
PAIR_K = 512000

_MESH = plsc.VectorSubcoreMesh(core_axis_name="c", subcore_axis_name="s")


def _repack_body(a_ref, b_ref, out_ref):
    a = a_ref[...]
    b = b_ref[...]
    ab = jnp.concatenate([a, b], axis=0)
    eye = (jax.lax.broadcasted_iota(jnp.int32, (ROW, ROW), 0) ==
           jax.lax.broadcasted_iota(jnp.int32, (ROW, ROW), 1)).astype(jnp.float32)
    t = jax.lax.dot_general(ab, eye, (((0,), (0,)), ((), ())),
                            preferred_element_type=jnp.float32)
    out_ref[...] = pltpu.bitcast(t.astype(jnp.bfloat16), jnp.int32)


_NBLK = PAIR_K // REPACK_C


def _repack_pipeline_body(a_ref, b_ref, out_ref):
    _repack_body(a_ref, b_ref, out_ref)


def _tc_repack(table_t):
    mesh = pltpu.create_tensorcore_mesh("core", num_cores=2)
    per_core = _NBLK // 2

    def body(tt_hbm, out_hbm):
        core = lax.axis_index("core")
        off = core * per_core
        pltpu.emit_pipeline(
            _repack_pipeline_body,
            grid=(per_core,),
            in_specs=[
                pl.BlockSpec((EMBED_DIM, REPACK_C), lambda i: (0, i + off)),
                pl.BlockSpec((EMBED_DIM, REPACK_C),
                             lambda i: (0, jnp.minimum(i + off + _NBLK,
                                                       2 * _NBLK - 2))),
            ],
            out_specs=[pl.BlockSpec((REPACK_C // 2, ROW),
                                    lambda i: (i + off, 0))],
        )(tt_hbm, tt_hbm, out_hbm)

    k = pl.kernel(
        body,
        out_type=jax.ShapeDtypeStruct((PAIR_K // 2, ROW), jnp.int32),
        mesh=mesh,
    )
    return k(table_t)


def _gather_body(uidx_hbm, iidx_hbm, uemb_hbm, iemb_hbm, u_hbm, v_hbm,
                 uidx_v, iidx_v, urows_v, irows_v, sem):
    wid = lax.axis_index("s") * NUM_CORES + lax.axis_index("c")
    base = wid * B_PER_TILE
    pltpu.sync_copy(uidx_hbm.at[wid], uidx_v)
    pltpu.sync_copy(iidx_hbm.at[wid], iidx_v)

    def start(j):
        b = j % 2
        return (
            pltpu.async_copy(uemb_hbm.at[uidx_v.at[j]], urows_v.at[b], sem),
            pltpu.async_copy(iemb_hbm.at[iidx_v.at[j]], irows_v.at[b], sem),
        )

    pend = start(0)
    for j in range(NCHUNK):
        nxt = start(j + 1) if j + 1 < NCHUNK else None
        pend[0].wait()
        pend[1].wait()
        b = j % 2
        off = base + j * CHUNK
        pltpu.sync_copy(urows_v.at[b], u_hbm.at[pl.ds(off, CHUNK)])
        pltpu.sync_copy(irows_v.at[b], v_hbm.at[pl.ds(off, CHUNK)])
        pend = nxt


def _sc_gather(uidx, iidx, uemb_p, iemb_p):
    k = pl.kernel(
        _gather_body,
        out_type=(
            jax.ShapeDtypeStruct((BATCH, ROW), jnp.int32),
            jax.ShapeDtypeStruct((BATCH, ROW), jnp.int32),
        ),
        mesh=_MESH,
        scratch_types=[
            pltpu.VMEM((NCHUNK, CHUNK), jnp.int32),
            pltpu.VMEM((NCHUNK, CHUNK), jnp.int32),
            pltpu.VMEM((2, CHUNK, ROW), jnp.int32),
            pltpu.VMEM((2, CHUNK, ROW), jnp.int32),
            pltpu.SemaphoreType.DMA,
        ],
    )
    return k(uidx, iidx, uemb_p, iemb_p)


BLK = 2048


def _unpack(xi, rp, par):
    bits = jnp.where(rp > 0, xi & jnp.int32(-65536), xi << 16)
    f = jax.lax.bitcast_convert_type(bits, jnp.float32)
    return jnp.where(par > 0, f[:, EMBED_DIM:], f[:, :EMBED_DIM])


def _mlp_body(u_ref, v_ref, urp_ref, up_ref, irp_ref, ip_ref,
              w1a_ref, w1b_ref, b1_ref, w2_ref, b2_ref,
              w3_ref, b3_ref, wp_ref, bp_ref, out_ref):
    f32 = jnp.float32
    u = _unpack(u_ref[...], urp_ref[...], up_ref[...])
    v = _unpack(v_ref[...], irp_ref[...], ip_ref[...])
    h = jnp.dot(u, w1a_ref[...], preferred_element_type=f32)
    h += jnp.dot(v, w1b_ref[...], preferred_element_type=f32)
    h = jnp.maximum(h + b1_ref[...], 0.0)
    h = jnp.maximum(jnp.dot(h, w2_ref[...], preferred_element_type=f32)
                    + b2_ref[...], 0.0)
    h = jnp.maximum(jnp.dot(h, w3_ref[...], preferred_element_type=f32)
                    + b3_ref[...], 0.0)
    p = jnp.sum(h * wp_ref[...], axis=1) + bp_ref[0, 0]
    out_ref[...] = jax.nn.sigmoid(p)


def _tc_mlp(u, v, urp, upar, irp, ipar, W1, b1, W2, b2, W3, b3, Wp, bp):
    w1a = W1[:, :EMBED_DIM].T
    w1b = W1[:, EMBED_DIM:].T
    w2 = W2.T
    w3 = W3.T
    grid = (BATCH // BLK,)
    full = lambda shape: pl.BlockSpec(shape, lambda i: (0,) * len(shape))
    par_spec = pl.BlockSpec((BLK, 1), lambda i: (i, 0))
    return pl.pallas_call(
        _mlp_body,
        grid=grid,
        in_specs=[
            pl.BlockSpec((BLK, ROW), lambda i: (i, 0)),
            pl.BlockSpec((BLK, ROW), lambda i: (i, 0)),
            par_spec, par_spec, par_spec, par_spec,
            full((EMBED_DIM, 128)),
            full((EMBED_DIM, 128)),
            full((1, 128)),
            full((128, EMBED_DIM)),
            full((1, EMBED_DIM)),
            full((EMBED_DIM, 32)),
            full((1, 32)),
            full((1, 32)),
            full((1, 1)),
        ],
        out_specs=pl.BlockSpec((BLK,), lambda i: (i,)),
        out_shape=jax.ShapeDtypeStruct((BATCH,), jnp.float32),
    )(u, v, urp, upar, irp, ipar, w1a, w1b, b1.reshape(1, -1),
      w2, b2.reshape(1, -1), w3, b3.reshape(1, -1), Wp, bp.reshape(1, 1))


def kernel(user_indices, item_indices, user_emb, item_emb,
           W1, b1, W2, b2, W3, b3, Wp, bp):
    ui = user_indices.astype(jnp.int32)
    ii = item_indices.astype(jnp.int32)
    ur = jnp.where(ui < PAIR_K, ui, ui - PAIR_K)
    ir = jnp.where(ii < PAIR_K, ii, ii - PAIR_K)
    uidx = (ur // 2).reshape(NUM_TILES, NCHUNK, CHUNK)
    iidx = (ir // 2).reshape(NUM_TILES, NCHUNK, CHUNK)
    urp = (ur % 2).reshape(BATCH, 1)
    irp = (ir % 2).reshape(BATCH, 1)
    upar = (ui >= PAIR_K).astype(jnp.int32).reshape(BATCH, 1)
    ipar = (ii >= PAIR_K).astype(jnp.int32).reshape(BATCH, 1)
    uemb_p = _tc_repack(user_emb.T)
    iemb_p = _tc_repack(item_emb.T)
    u, v = _sc_gather(uidx, iidx, uemb_p, iemb_p)
    return _tc_mlp(u, v, urp, upar, irp, ipar,
                   W1, b1, W2, b2, W3, b3, Wp, bp)

# --- scband reference (transcript-rebuilt; emitter-appended) ---
"""Pipeline reference for scband-ncf-29111288332538 (READ-ONLY COPY).

The authoritative reference and input builder live on the scoring server;
editing this copy changes nothing except your own understanding.
"""

import jax, jax.numpy as jnp
import numpy as np

NUM_USERS = 1000000
NUM_ITEMS = 1000000
EMBED_DIM = 64
BATCH = 16384


def setup_inputs(seed: int = 0) -> dict:
    key = jax.random.key(seed)
    ks = jax.random.split(key, 12)
    user_indices = jax.random.randint(ks[0], (BATCH,), 0, NUM_USERS, dtype=jnp.int64 if jax.config.jax_enable_x64 else jnp.int32)
    item_indices = jax.random.randint(ks[1], (BATCH,), 0, NUM_ITEMS, dtype=jnp.int64 if jax.config.jax_enable_x64 else jnp.int32)
    user_emb = jax.random.normal(ks[2], (NUM_USERS, EMBED_DIM), dtype=jnp.float32) * 0.01
    item_emb = jax.random.normal(ks[3], (NUM_ITEMS, EMBED_DIM), dtype=jnp.float32) * 0.01
    # MLP layers: [128 -> 128, 128 -> 64, 64 -> 32], prediction 32 -> 1
    def kaiming(k, fan_out, fan_in):
        bound = float(np.sqrt(6.0 / fan_in))
        return jax.random.uniform(k, (fan_out, fan_in), dtype=jnp.float32, minval=-bound, maxval=bound)
    W1 = kaiming(ks[4], 128, 128)
    b1 = jnp.zeros((128,), dtype=jnp.float32)
    W2 = kaiming(ks[5], 64, 128)
    b2 = jnp.zeros((64,), dtype=jnp.float32)
    W3 = kaiming(ks[6], 32, 64)
    b3 = jnp.zeros((32,), dtype=jnp.float32)
    Wp = kaiming(ks[7], 1, 32)
    bp = jnp.zeros((1,), dtype=jnp.float32)
    return {
        "user_indices": user_indices,
        "item_indices": item_indices,
        "user_emb": user_emb,
        "item_emb": item_emb,
        "W1": W1, "b1": b1,
        "W2": W2, "b2": b2,
        "W3": W3, "b3": b3,
        "Wp": Wp, "bp": bp,
    }


def reference(user_indices, item_indices, user_emb, item_emb, W1, b1, W2, b2, W3, b3, Wp, bp):
    # Embedding lookups (gather) -- SparseCore-friendly
    u = jnp.take(user_emb, user_indices, axis=0)  # [B, D]
    v = jnp.take(item_emb, item_indices, axis=0)  # [B, D]
    x = jnp.concatenate([u, v], axis=-1)          # [B, 2D]
    # MLP (dropout is identity in eval/inference reference)
    x = jax.nn.relu(x @ W1.T + b1)
    x = jax.nn.relu(x @ W2.T + b2)
    x = jax.nn.relu(x @ W3.T + b3)
    pred = x @ Wp.T + bp                          # [B, 1]
    return jax.nn.sigmoid(pred).reshape(-1)       # [B]

if __name__ == "__main__":
    import jax
    _d = setup_inputs()
    print(jax.jit(kernel)(*tuple(_d.values())))

</pallas_src>

<mosaic_0001>
#map = affine_map<(d0, d1) -> (0, 0, 0)>
#map1 = affine_map<(d0, d1) -> (0, 0)>
module attributes {stable_mosaic.version = 14 : i64} {
  func.func @_gather_body(%arg0: i32, %arg1: i32, %arg2: memref<32x4x128xi32, #tpu.memory_space<hbm>>, %arg3: memref<32x4x128xi32, #tpu.memory_space<hbm>>, %arg4: memref<256000x128xi32, #tpu.memory_space<hbm>>, %arg5: memref<256000x128xi32, #tpu.memory_space<hbm>>, %arg6: memref<16384x128xi32, #tpu.memory_space<hbm>>, %arg7: memref<16384x128xi32, #tpu.memory_space<hbm>>, %arg8: memref<4x128xi32, #tpu.memory_space<vmem>>, %arg9: memref<4x128xi32, #tpu.memory_space<vmem>>, %arg10: memref<2x128x128xi32, #tpu.memory_space<vmem>>, %arg11: memref<2x128x128xi32, #tpu.memory_space<vmem>>, %arg12: memref<!tpu.dma_semaphore, #tpu.memory_space<semaphore_mem>>) attributes {dimension_semantics = [#tpu.dimension_semantics<core_parallel>, #tpu.dimension_semantics<subcore_parallel>], iteration_bounds = array<i64: 2, 16>, scalar_prefetch = 0 : i64, scratch_operands = 5 : i64, tpu.core_type = #tpu.core_type<sc_vector_subcore>, window_params = [{transform_indices = #map}, {transform_indices = #map}, {transform_indices = #map1}, {transform_indices = #map1}, {transform_indices = #map1}, {transform_indices = #map1}]} {
    %mul3A = arith.constant 2 : i32
    %mul3A_0 = arith.muli %arg1, %mul3A : i32
    %add3A = arith.addi %mul3A_0, %arg0 : i32
    %mul3A_1 = arith.constant 512 : i32
    %mul3A_2 = arith.muli %add3A, %mul3A_1 : i32
    "tpu.region"() ({
      %run_scoped3A_208 = tpu.sem_alloc : memref<!tpu.dma_semaphore, #tpu.memory_space<semaphore_mem>>
      %dma_start3A_209 = arith.constant 0 : i32
      %dma_start3A_210 = arith.constant 0 : i32
      %dma_start3A_211 = tpu.memref_slice %arg2[%add3A, %dma_start3A_209, %dma_start3A_210] : memref<32x4x128xi32, #tpu.memory_space<hbm>> -> memref<1x4x128xi32, #tpu.memory_space<hbm>>
      %dma_start3A_212 = tpu.memref_squeeze %dma_start3A_211 : memref<1x4x128xi32, #tpu.memory_space<hbm>> -> memref<4x128xi32, #tpu.memory_space<hbm>>
      %dma_start3A_213 = arith.constant 0 : i32
      %dma_start3A_214 = arith.constant 0 : i32
      %dma_start3A_215 = tpu.memref_slice %arg2[%add3A, %dma_start3A_213, %dma_start3A_214] : memref<32x4x128xi32, #tpu.memory_space<hbm>> -> memref<1x4x128xi32, #tpu.memory_space<hbm>>
      %dma_start3A_216 = tpu.memref_squeeze %dma_start3A_215 : memref<1x4x128xi32, #tpu.memory_space<hbm>> -> memref<4x128xi32, #tpu.memory_space<hbm>>
      tpu.enqueue_dma source(%dma_start3A_216 : memref<4x128xi32, #tpu.memory_space<hbm>>) target(%arg8 : memref<4x128xi32, #tpu.memory_space<vmem>>) target_semaphore(%run_scoped3A_208 : memref<!tpu.dma_semaphore, #tpu.memory_space<semaphore_mem>>)
      %dma_wait3A_217 = arith.constant 0 : i32
      %dma_wait3A_218 = arith.constant 0 : i32
      %dma_wait3A_219 = tpu.memref_slice %arg2[%add3A, %dma_wait3A_217, %dma_wait3A_218] : memref<32x4x128xi32, #tpu.memory_space<hbm>> -> memref<1x4x128xi32, #tpu.memory_space<hbm>>
      %dma_wait3A_220 = tpu.memref_squeeze %dma_wait3A_219 : memref<1x4x128xi32, #tpu.memory_space<hbm>> -> memref<4x128xi32, #tpu.memory_space<hbm>>
      %dma_wait3A_221 = arith.constant 0 : i32
      %dma_wait3A_222 = arith.constant 0 : i32
      %dma_wait3A_223 = tpu.memref_slice %arg2[%add3A, %dma_wait3A_221, %dma_wait3A_222] : memref<32x4x128xi32, #tpu.memory_space<hbm>> -> memref<1x4x128xi32, #tpu.memory_space<hbm>>
      %dma_wait3A_224 = tpu.memref_squeeze %dma_wait3A_223 : memref<1x4x128xi32, #tpu.memory_space<hbm>> -> memref<4x128xi32, #tpu.memory_space<hbm>>
      tpu.wait_dma2 semaphore(%run_scoped3A_208 : memref<!tpu.dma_semaphore, #tpu.memory_space<semaphore_mem>>) src(%dma_wait3A_224 : memref<4x128xi32, #tpu.memory_space<hbm>>) dst(%arg8 : memref<4x128xi32, #tpu.memory_space<vmem>>)
      tpu.yield
    }) : () -> ()
    "tpu.region"() ({
      %run_scoped3A_208 = tpu.sem_alloc : memref<!tpu.dma_semaphore, #tpu.memory_space<semaphore_mem>>
      %dma_start3A_209 = arith.constant 0 : i32
      %dma_start3A_210 = arith.constant 0 : i32
      %dma_start3A_211 = tpu.memref_slice %arg3[%add3A, %dma_start3A_209, %dma_start3A_210] : memref<32x4x128xi32, #tpu.memory_space<hbm>> -> memref<1x4x128xi32, #tpu.memory_space<hbm>>
      %dma_start3A_212 = tpu.memref_squeeze %dma_start3A_211 : memref<1x4x128xi32, #tpu.memory_space<hbm>> -> memref<4x128xi32, #tpu.memory_space<hbm>>
      %dma_start3A_213 = arith.constant 0 : i32
      %dma_start3A_214 = arith.constant 0 : i32
      %dma_start3A_215 = tpu.memref_slice %arg3[%add3A, %dma_start3A_213, %dma_start3A_214] : memref<32x4x128xi32, #tpu.memory_space<hbm>> -> memref<1x4x128xi32, #tpu.memory_space<hbm>>
      %dma_start3A_216 = tpu.memref_squeeze %dma_start3A_215 : memref<1x4x128xi32, #tpu.memory_space<hbm>> -> memref<4x128xi32, #tpu.memory_space<hbm>>
      tpu.enqueue_dma source(%dma_start3A_216 : memref<4x128xi32, #tpu.memory_space<hbm>>) target(%arg9 : memref<4x128xi32, #tpu.memory_space<vmem>>) target_semaphore(%run_scoped3A_208 : memref<!tpu.dma_semaphore, #tpu.memory_space<semaphore_mem>>)
      %dma_wait3A_217 = arith.constant 0 : i32
      %dma_wait3A_218 = arith.constant 0 : i32
      %dma_wait3A_219 = tpu.memref_slice %arg3[%add3A, %dma_wait3A_217, %dma_wait3A_218] : memref<32x4x128xi32, #tpu.memory_space<hbm>> -> memref<1x4x128xi32, #tpu.memory_space<hbm>>
      %dma_wait3A_220 = tpu.memref_squeeze %dma_wait3A_219 : memref<1x4x128xi32, #tpu.memory_space<hbm>> -> memref<4x128xi32, #tpu.memory_space<hbm>>
      %dma_wait3A_221 = arith.constant 0 : i32
      %dma_wait3A_222 = arith.constant 0 : i32
      %dma_wait3A_223 = tpu.memref_slice %arg3[%add3A, %dma_wait3A_221, %dma_wait3A_222] : memref<32x4x128xi32, #tpu.memory_space<hbm>> -> memref<1x4x128xi32, #tpu.memory_space<hbm>>
      %dma_wait3A_224 = tpu.memref_squeeze %dma_wait3A_223 : memref<1x4x128xi32, #tpu.memory_space<hbm>> -> memref<4x128xi32, #tpu.memory_space<hbm>>
      tpu.wait_dma2 semaphore(%run_scoped3A_208 : memref<!tpu.dma_semaphore, #tpu.memory_space<semaphore_mem>>) src(%dma_wait3A_224 : memref<4x128xi32, #tpu.memory_space<hbm>>) dst(%arg9 : memref<4x128xi32, #tpu.memory_space<vmem>>)
      tpu.yield
    }) : () -> ()
    %dma_start3A = arith.constant 0 : i32
    %dma_start3A_3 = arith.constant 0 : i32
    %dma_start3A_4 = arith.constant 0 : i32
    %dma_start3A_5 = arith.constant 0 : i32
    %dma_start3A_6 = tpu.memref_slice %arg10[%dma_start3A_3, %dma_start3A_4, %dma_start3A_5] : memref<2x128x128xi32, #tpu.memory_space<vmem>> -> memref<1x128x128xi32, #tpu.memory_space<vmem>>
    %dma_start3A_7 = tpu.memref_squeeze %dma_start3A_6 : memref<1x128x128xi32, #tpu.memory_space<vmem>> -> memref<128x128xi32, #tpu.memory_space<vmem>>
    %dma_start3A_8 = arith.constant 0 : i32
    %dma_start3A_9 = tpu.memref_slice %arg8[%dma_start3A, %dma_start3A_8] : memref<4x128xi32, #tpu.memory_space<vmem>> -> memref<1x128xi32, #tpu.memory_space<vmem>>
    %dma_start3A_10 = tpu.memref_squeeze %dma_start3A_9 : memref<1x128xi32, #tpu.memory_space<vmem>> -> memref<128xi32, #tpu.memory_space<vmem>>
    %dma_start3A_11 = arith.constant 0 : i32
    %dma_start3A_12 = arith.constant 0 : i32
    %dma_start3A_13 = tpu.memref_slice %arg4[%dma_start3A_11, %dma_start3A_12] : memref<256000x128xi32, #tpu.memory_space<hbm>> -> memref<256000x128xi32, #tpu.memory_space<hbm>>
    tpu.enqueue_indirect_dma source(%dma_start3A_13 : memref<256000x128xi32, #tpu.memory_space<hbm>>) target(%dma_start3A_7 : memref<128x128xi32, #tpu.memory_space<vmem>>) offsets(%dma_start3A_10 : memref<128xi32, #tpu.memory_space<vmem>>) semaphore(%arg12 : memref<!tpu.dma_semaphore, #tpu.memory_space<semaphore_mem>>)
    %dma_start3A_14 = arith.constant 0 : i32
    %dma_start3A_15 = arith.constant 0 : i32
    %dma_start3A_16 = arith.constant 0 : i32
    %dma_start3A_17 = arith.constant 0 : i32
    %dma_start3A_18 = tpu.memref_slice %arg11[%dma_start3A_15, %dma_start3A_16, %dma_start3A_17] : memref<2x128x128xi32, #tpu.memory_space<vmem>> -> memref<1x128x128xi32, #tpu.memory_space<vmem>>
    %dma_start3A_19 = tpu.memref_squeeze %dma_start3A_18 : memref<1x128x128xi32, #tpu.memory_space<vmem>> -> memref<128x128xi32, #tpu.memory_space<vmem>>
    %dma_start3A_20 = arith.constant 0 : i32
    %dma_start3A_21 = tpu.memref_slice %arg9[%dma_start3A_14, %dma_start3A_20] : memref<4x128xi32, #tpu.memory_space<vmem>> -> memref<1x128xi32, #tpu.memory_space<vmem>>
    %dma_start3A_22 = tpu.memref_squeeze %dma_start3A_21 : memref<1x128xi32, #tpu.memory_space<vmem>> -> memref<128xi32, #tpu.memory_space<vmem>>
    %dma_start3A_23 = arith.constant 0 : i32
    %dma_start3A_24 = arith.constant 0 : i32
    %dma_start3A_25 = tpu.memref_slice %arg5[%dma_start3A_23, %dma_start3A_24] : memref<256000x128xi32, #tpu.memory_space<hbm>> -> memref<256000x128xi32, #tpu.memory_space<hbm>>
    tpu.enqueue_indirect_dma source(%dma_start3A_25 : memref<256000x128xi32, #tpu.memory_space<hbm>>) target(%dma_start3A_19 : memref<128x128xi32, #tpu.memory_space<vmem>>) offsets(%dma_start3A_22 : memref<128xi32, #tpu.memory_space<vmem>>) semaphore(%arg12 : memref<!tpu.dma_semaphore, #tpu.memory_space<semaphore_mem>>)
    %dma_start3A_26 = arith.constant 1 : i32
    %dma_start3A_27 = arith.constant 1 : i32
    %dma_start3A_28 = arith.constant 0 : i32
    %dma_start3A_29 = arith.constant 0 : i32
    %dma_start3A_30 = tpu.memref_slice %arg10[%dma_start3A_27, %dma_start3A_28, %dma_start3A_29] : memref<2x128x128xi32, #tpu.memory_space<vmem>> -> memref<1x128x128xi32, #tpu.memory_space<vmem>>
    %dma_start3A_31 = tpu.memref_squeeze %dma_start3A_30 : memref<1x128x128xi32, #tpu.memory_space<vmem>> -> memref<128x128xi32, #tpu.memory_space<vmem>>
    %dma_start3A_32 = arith.constant 0 : i32
    %dma_start3A_33 = tpu.memref_slice %arg8[%dma_start3A_26, %dma_start3A_32] : memref<4x128xi32, #tpu.memory_space<vmem>> -> memref<1x128xi32, #tpu.memory_space<vmem>>
    %dma_start3A_34 = tpu.memref_squeeze %dma_start3A_33 : memref<1x128xi32, #tpu.memory_space<vmem>> -> memref<128xi32, #tpu.memory_space<vmem>>
    %dma_start3A_35 = arith.constant 0 : i32
    %dma_start3A_36 = arith.constant 0 : i32
    %dma_start3A_37 = tpu.memref_slice %arg4[%dma_start3A_35, %dma_start3A_36] : memref<256000x128xi32, #tpu.memory_space<hbm>> -> memref<256000x128xi32, #tpu.memory_space<hbm>>
    tpu.enqueue_indirect_dma source(%dma_start3A_37 : memref<256000x128xi32, #tpu.memory_space<hbm>>) target(%dma_start3A_31 : memref<128x128xi32, #tpu.memory_space<vmem>>) offsets(%dma_start3A_34 : memref<128xi32, #tpu.memory_space<vmem>>) semaphore(%arg12 : memref<!tpu.dma_semaphore, #tpu.memory_space<semaphore_mem>>)
    %dma_start3A_38 = arith.constant 1 : i32
    %dma_start3A_39 = arith.constant 1 : i32
    %dma_start3A_40 = arith.constant 0 : i32
    %dma_start3A_41 = arith.constant 0 : i32
    %dma_start3A_42 = tpu.memref_slice %arg11[%dma_start3A_39, %dma_start3A_40, %dma_start3A_41] : memref<2x128x128xi32, #tpu.memory_space<vmem>> -> memref<1x128x128xi32, #tpu.memory_space<vmem>>
    %dma_start3A_43 = tpu.memref_squeeze %dma_start3A_42 : memref<1x128x128xi32, #tpu.memory_space<vmem>> -> memref<128x128xi32, #tpu.memory_space<vmem>>
    %dma_start3A_44 = arith.constant 0 : i32
    %dma_start3A_45 = tpu.memref_slice %arg9[%dma_start3A_38, %dma_start3A_44] : memref<4x128xi32, #tpu.memory_space<vmem>> -> memref<1x128xi32, #tpu.memory_space<vmem>>
    %dma_start3A_46 = tpu.memref_squeeze %dma_start3A_45 : memref<1x128xi32, #tpu.memory_space<vmem>> -> memref<128xi32, #tpu.memory_space<vmem>>
    %dma_start3A_47 = arith.constant 0 : i32
    %dma_start3A_48 = arith.constant 0 : i32
    %dma_start3A_49 = tpu.memref_slice %arg5[%dma_start3A_47, %dma_start3A_48] : memref<256000x128xi32, #tpu.memory_space<hbm>> -> memref<256000x128xi32, #tpu.memory_space<hbm>>
    tpu.enqueue_indirect_dma source(%dma_start3A_49 : memref<256000x128xi32, #tpu.memory_space<hbm>>) target(%dma_start3A_43 : memref<128x128xi32, #tpu.memory_space<vmem>>) offsets(%dma_start3A_46 : memref<128xi32, #tpu.memory_space<vmem>>) semaphore(%arg12 : memref<!tpu.dma_semaphore, #tpu.memory_space<semaphore_mem>>)
    %dma_wait3A = arith.constant 0 : i32
    %dma_wait3A_50 = arith.constant 0 : i32
    %dma_wait3A_51 = arith.constant 0 : i32
    %dma_wait3A_52 = arith.constant 0 : i32
    %dma_wait3A_53 = tpu.memref_slice %arg10[%dma_wait3A_50, %dma_wait3A_51, %dma_wait3A_52] : memref<2x128x128xi32, #tpu.memory_space<vmem>> -> memref<1x128x128xi32, #tpu.memory_space<vmem>>
    %dma_wait3A_54 = tpu.memref_squeeze %dma_wait3A_53 : memref<1x128x128xi32, #tpu.memory_space<vmem>> -> memref<128x128xi32, #tpu.memory_space<vmem>>
    %dma_wait3A_55 = arith.constant 0 : i32
    %dma_wait3A_56 = tpu.memref_slice %arg8[%dma_wait3A, %dma_wait3A_55] : memref<4x128xi32, #tpu.memory_space<vmem>> -> memref<1x128xi32, #tpu.memory_space<vmem>>
    %dma_wait3A_57 = tpu.memref_squeeze %dma_wait3A_56 : memref<1x128xi32, #tpu.memory_space<vmem>> -> memref<128xi32, #tpu.memory_space<vmem>>
    %dma_wait3A_58 = arith.constant 0 : i32
    %dma_wait3A_59 = arith.constant 0 : i32
    %dma_wait3A_60 = tpu.memref_slice %arg4[%dma_wait3A_58, %dma_wait3A_59] : memref<256000x128xi32, #tpu.memory_space<hbm>> -> memref<256000x128xi32, #tpu.memory_space<hbm>>
    tpu.wait_indirect_dma semaphore(%arg12 : memref<!tpu.dma_semaphore, #tpu.memory_space<semaphore_mem>>) src(%dma_wait3A_60 : memref<256000x128xi32, #tpu.memory_space<hbm>>) dst(%dma_wait3A_54 : memref<128x128xi32, #tpu.memory_space<vmem>>)
    %dma_wait3A_61 = arith.constant 0 : i32
    %dma_wait3A_62 = arith.constant 0 : i32
    %dma_wait3A_63 = arith.constant 0 : i32
    %dma_wait3A_64 = arith.constant 0 : i32
    %dma_wait3A_65 = tpu.memref_slice %arg11[%dma_wait3A_62, %dma_wait3A_63, %dma_wait3A_64] : memref<2x128x128xi32, #tpu.memory_space<vmem>> -> memref<1x128x128xi32, #tpu.memory_space<vmem>>
    %dma_wait3A_66 = tpu.memref_squeeze %dma_wait3A_65 : memref<1x128x128xi32, #tpu.memory_space<vmem>> -> memref<128x128xi32, #tpu.memory_space<vmem>>
    %dma_wait3A_67 = arith.constant 0 : i32
    %dma_wait3A_68 = tpu.memref_slice %arg9[%dma_wait3A_61, %dma_wait3A_67] : memref<4x128xi32, #tpu.memory_space<vmem>> -> memref<1x128xi32, #tpu.memory_space<vmem>>
    %dma_wait3A_69 = tpu.memref_squeeze %dma_wait3A_68 : memref<1x128xi32, #tpu.memory_space<vmem>> -> memref<128xi32, #tpu.memory_space<vmem>>
    %dma_wait3A_70 = arith.constant 0 : i32
    %dma_wait3A_71 = arith.constant 0 : i32
    %dma_wait3A_72 = tpu.memref_slice %arg5[%dma_wait3A_70, %dma_wait3A_71] : memref<256000x128xi32, #tpu.memory_space<hbm>> -> memref<256000x128xi32, #tpu.memory_space<hbm>>
    tpu.wait_indirect_dma semaphore(%arg12 : memref<!tpu.dma_semaphore, #tpu.memory_space<semaphore_mem>>) src(%dma_wait3A_72 : memref<256000x128xi32, #tpu.memory_space<hbm>>) dst(%dma_wait3A_66 : memref<128x128xi32, #tpu.memory_space<vmem>>)
    %add3A_73 = arith.constant 0 : i32
    %add3A_74 = arith.addi %mul3A_2, %add3A_73 : i32
    %run_scoped3A = arith.constant 0 : i32
    "tpu.region"() ({
      %run_scoped3A_208 = tpu.sem_alloc : memref<!tpu.dma_semaphore, #tpu.memory_space<semaphore_mem>>
      %dma_start3A_209 = arith.constant 0 : i32
      %dma_start3A_210 = arith.constant 0 : i32
      %dma_start3A_211 = tpu.memref_slice %arg10[%run_scoped3A, %dma_start3A_209, %dma_start3A_210] : memref<2x128x128xi32, #tpu.memory_space<vmem>> -> memref<1x128x128xi32, #tpu.memory_space<vmem>>
      %dma_start3A_212 = tpu.memref_squeeze %dma_start3A_211 : memref<1x128x128xi32, #tpu.memory_space<vmem>> -> memref<128x128xi32, #tpu.memory_space<vmem>>
      %dma_start3A_213 = arith.constant 0 : i32
      %dma_start3A_214 = tpu.memref_slice %arg6[%add3A_74, %dma_start3A_213] : memref<16384x128xi32, #tpu.memory_space<hbm>> -> memref<128x128xi32, #tpu.memory_space<hbm>>
      %dma_start3A_215 = arith.constant 0 : i32
      %dma_start3A_216 = tpu.memref_slice %arg6[%add3A_74, %dma_start3A_215] : memref<16384x128xi32, #tpu.memory_space<hbm>> -> memref<128x128xi32, #tpu.memory_space<hbm>>
      %dma_start3A_217 = arith.constant 0 : i32
      %dma_start3A_218 = arith.constant 0 : i32
      %dma_start3A_219 = tpu.memref_slice %arg10[%run_scoped3A, %dma_start3A_217, %dma_start3A_218] : memref<2x128x128xi32, #tpu.memory_space<vmem>> -> memref<1x128x128xi32, #tpu.memory_space<vmem>>
      %dma_start3A_220 = tpu.memref_squeeze %dma_start3A_219 : memref<1x128x128xi32, #tpu.memory_space<vmem>> -> memref<128x128xi32, #tpu.memory_space<vmem>>
      tpu.enqueue_dma source(%dma_start3A_220 : memref<128x128xi32, #tpu.memory_space<vmem>>) target(%dma_start3A_216 : memref<128x128xi32, #tpu.memory_space<hbm>>) target_semaphore(%run_scoped3A_208 : memref<!tpu.dma_semaphore, #tpu.memory_space<semaphore_mem>>)
      %dma_wait3A_221 = arith.constant 0 : i32
      %dma_wait3A_222 = arith.constant 0 : i32
      %dma_wait3A_223 = tpu.memref_slice %arg10[%run_scoped3A, %dma_wait3A_221, %dma_wait3A_222] : memref<2x128x128xi32, #tpu.memory_space<vmem>> -> memref<1x128x128xi32, #tpu.memory_space<vmem>>
      %dma_wait3A_224 = tpu.memref_squeeze %dma_wait3A_223 : memref<1x128x128xi32, #tpu.memory_space<vmem>> -> memref<128x128xi32, #tpu.memory_space<vmem>>
      %dma_wait3A_225 = arith.constant 0 : i32
      %dma_wait3A_226 = tpu.memref_slice %arg6[%add3A_74, %dma_wait3A_225] : memref<16384x128xi32, #tpu.memory_space<hbm>> -> memref<128x128xi32, #tpu.memory_space<hbm>>
      %dma_wait3A_227 = arith.constant 0 : i32
      %dma_wait3A_228 = tpu.memref_slice %arg6[%add3A_74, %dma_wait3A_227] : memref<16384x128xi32, #tpu.memory_space<hbm>> -> memref<128x128xi32, #tpu.memory_space<hbm>>
      %dma_wait3A_229 = arith.constant 0 : i32
      %dma_wait3A_230 = arith.constant 0 : i32
      %dma_wait3A_231 = tpu.memref_slice %arg10[%run_scoped3A, %dma_wait3A_229, %dma_wait3A_230] : memref<2x128x128xi32, #tpu.memory_space<vmem>> -> memref<1x128x128xi32, #tpu.memory_space<vmem>>
      %dma_wait3A_232 = tpu.memref_squeeze %dma_wait3A_231 : memref<1x128x128xi32, #tpu.memory_space<vmem>> -> memref<128x128xi32, #tpu.memory_space<vmem>>
      tpu.wait_dma2 semaphore(%run_scoped3A_208 : memref<!tpu.dma_semaphore, #tpu.memory_space<semaphore_mem>>) src(%dma_wait3A_232 : memref<128x128xi32, #tpu.memory_space<vmem>>) dst(%dma_wait3A_228 : memref<128x128xi32, #tpu.memory_space<hbm>>)
      tpu.yield
    }) : () -> ()
    %run_scoped3A_75 = arith.constant 0 : i32
    "tpu.region"() ({
      %run_scoped3A_208 = tpu.sem_alloc : memref<!tpu.dma_semaphore, #tpu.memory_space<semaphore_mem>>
      %dma_start3A_209 = arith.constant 0 : i32
      %dma_start3A_210 = arith.constant 0 : i32
      %dma_start3A_211 = tpu.memref_slice %arg11[%run_scoped3A_75, %dma_start3A_209, %dma_start3A_210] : memref<2x128x128xi32, #tpu.memory_space<vmem>> -> memref<1x128x128xi32, #tpu.memory_space<vmem>>
      %dma_start3A_212 = tpu.memref_squeeze %dma_start3A_211 : memref<1x128x128xi32, #tpu.memory_space<vmem>> -> memref<128x128xi32, #tpu.memory_space<vmem>>
      %dma_start3A_213 = arith.constant 0 : i32
      %dma_start3A_214 = tpu.memref_slice %arg7[%add3A_74, %dma_start3A_213] : memref<16384x128xi32, #tpu.memory_space<hbm>> -> memref<128x128xi32, #tpu.memory_space<hbm>>
      %dma_start3A_215 = arith.constant 0 : i32
      %dma_start3A_216 = tpu.memref_slice %arg7[%add3A_74, %dma_start3A_215] : memref<16384x128xi32, #tpu.memory_space<hbm>> -> memref<128x128xi32, #tpu.memory_space<hbm>>
      %dma_start3A_217 = arith.constant 0 : i32
      %dma_start3A_218 = arith.constant 0 : i32
      %dma_start3A_219 = tpu.memref_slice %arg11[%run_scoped3A_75, %dma_start3A_217, %dma_start3A_218] : memref<2x128x128xi32, #tpu.memory_space<vmem>> -> memref<1x128x128xi32, #tpu.memory_space<vmem>>
      %dma_start3A_220 = tpu.memref_squeeze %dma_start3A_219 : memref<1x128x128xi32, #tpu.memory_space<vmem>> -> memref<128x128xi32, #tpu.memory_space<vmem>>
      tpu.enqueue_dma source(%dma_start3A_220 : memref<128x128xi32, #tpu.memory_space<vmem>>) target(%dma_start3A_216 : memref<128x128xi32, #tpu.memory_space<hbm>>) target_semaphore(%run_scoped3A_208 : memref<!tpu.dma_semaphore, #tpu.memory_space<semaphore_mem>>)
      %dma_wait3A_221 = arith.constant 0 : i32
      %dma_wait3A_222 = arith.constant 0 : i32
      %dma_wait3A_223 = tpu.memref_slice %arg11[%run_scoped3A_75, %dma_wait3A_221, %dma_wait3A_222] : memref<2x128x128xi32, #tpu.memory_space<vmem>> -> memref<1x128x128xi32, #tpu.memory_space<vmem>>
      %dma_wait3A_224 = tpu.memref_squeeze %dma_wait3A_223 : memref<1x128x128xi32, #tpu.memory_space<vmem>> -> memref<128x128xi32, #tpu.memory_space<vmem>>
      %dma_wait3A_225 = arith.constant 0 : i32
      %dma_wait3A_226 = tpu.memref_slice %arg7[%add3A_74, %dma_wait3A_225] : memref<16384x128xi32, #tpu.memory_space<hbm>> -> memref<128x128xi32, #tpu.memory_space<hbm>>
      %dma_wait3A_227 = arith.constant 0 : i32
      %dma_wait3A_228 = tpu.memref_slice %arg7[%add3A_74, %dma_wait3A_227] : memref<16384x128xi32, #tpu.memory_space<hbm>> -> memref<128x128xi32, #tpu.memory_space<hbm>>
      %dma_wait3A_229 = arith.constant 0 : i32
      %dma_wait3A_230 = arith.constant 0 : i32
      %dma_wait3A_231 = tpu.memref_slice %arg11[%run_scoped3A_75, %dma_wait3A_229, %dma_wait3A_230] : memref<2x128x128xi32, #tpu.memory_space<vmem>> -> memref<1x128x128xi32, #tpu.memory_space<vmem>>
      %dma_wait3A_232 = tpu.memref_squeeze %dma_wait3A_231 : memref<1x128x128xi32, #tpu.memory_space<vmem>> -> memref<128x128xi32, #tpu.memory_space<vmem>>
      tpu.wait_dma2 semaphore(%run_scoped3A_208 : memref<!tpu.dma_semaphore, #tpu.memory_space<semaphore_mem>>) src(%dma_wait3A_232 : memref<128x128xi32, #tpu.memory_space<vmem>>) dst(%dma_wait3A_228 : memref<128x128xi32, #tpu.memory_space<hbm>>)
      tpu.yield
    }) : () -> ()
    %dma_start3A_76 = arith.constant 2 : i32
    %dma_start3A_77 = arith.constant 0 : i32
    %dma_start3A_78 = arith.constant 0 : i32
    %dma_start3A_79 = arith.constant 0 : i32
    %dma_start3A_80 = tpu.memref_slice %arg10[%dma_start3A_77, %dma_start3A_78, %dma_start3A_79] : memref<2x128x128xi32, #tpu.memory_space<vmem>> -> memref<1x128x128xi32, #tpu.memory_space<vmem>>
    %dma_start3A_81 = tpu.memref_squeeze %dma_start3A_80 : memref<1x128x128xi32, #tpu.memory_space<vmem>> -> memref<128x128xi32, #tpu.memory_space<vmem>>
    %dma_start3A_82 = arith.constant 0 : i32
    %dma_start3A_83 = tpu.memref_slice %arg8[%dma_start3A_76, %dma_start3A_82] : memref<4x128xi32, #tpu.memory_space<vmem>> -> memref<1x128xi32, #tpu.memory_space<vmem>>
    %dma_start3A_84 = tpu.memref_squeeze %dma_start3A_83 : memref<1x128xi32, #tpu.memory_space<vmem>> -> memref<128xi32, #tpu.memory_space<vmem>>
    %dma_start3A_85 = arith.constant 0 : i32
    %dma_start3A_86 = arith.constant 0 : i32
    %dma_start3A_87 = tpu.memref_slice %arg4[%dma_start3A_85, %dma_start3A_86] : memref<256000x128xi32, #tpu.memory_space<hbm>> -> memref<256000x128xi32, #tpu.memory_space<hbm>>
    tpu.enqueue_indirect_dma source(%dma_start3A_87 : memref<256000x128xi32, #tpu.memory_space<hbm>>) target(%dma_start3A_81 : memref<128x128xi32, #tpu.memory_space<vmem>>) offsets(%dma_start3A_84 : memref<128xi32, #tpu.memory_space<vmem>>) semaphore(%arg12 : memref<!tpu.dma_semaphore, #tpu.memory_space<semaphore_mem>>)
    %dma_start3A_88 = arith.constant 2 : i32
    %dma_start3A_89 = arith.constant 0 : i32
    %dma_start3A_90 = arith.constant 0 : i32
    %dma_start3A_91 = arith.constant 0 : i32
    %dma_start3A_92 = tpu.memref_slice %arg11[%dma_start3A_89, %dma_start3A_90, %dma_start3A_91] : memref<2x128x128xi32, #tpu.memory_space<vmem>> -> memref<1x128x128xi32, #tpu.memory_space<vmem>>
    %dma_start3A_93 = tpu.memref_squeeze %dma_start3A_92 : memref<1x128x128xi32, #tpu.memory_space<vmem>> -> memref<128x128xi32, #tpu.memory_space<vmem>>
    %dma_start3A_94 = arith.constant 0 : i32
    %dma_start3A_95 = tpu.memref_slice %arg9[%dma_start3A_88, %dma_start3A_94] : memref<4x128xi32, #tpu.memory_space<vmem>> -> memref<1x128xi32, #tpu.memory_space<vmem>>
    %dma_start3A_96 = tpu.memref_squeeze %dma_start3A_95 : memref<1x128xi32, #tpu.memory_space<vmem>> -> memref<128xi32, #tpu.memory_space<vmem>>
    %dma_start3A_97 = arith.constant 0 : i32
    %dma_start3A_98 = arith.constant 0 : i32
    %dma_start3A_99 = tpu.memref_slice %arg5[%dma_start3A_97, %dma_start3A_98] : memref<256000x128xi32, #tpu.memory_space<hbm>> -> memref<256000x128xi32, #tpu.memory_space<hbm>>
    tpu.enqueue_indirect_dma source(%dma_start3A_99 : memref<256000x128xi32, #tpu.memory_space<hbm>>) target(%dma_start3A_93 : memref<128x128xi32, #tpu.memory_space<vmem>>) offsets(%dma_start3A_96 : memref<128xi32, #tpu.memory_space<vmem>>) semaphore(%arg12 : memref<!tpu.dma_semaphore, #tpu.memory_space<semaphore_mem>>)
    %dma_wait3A_100 = arith.constant 1 : i32
    %dma_wait3A_101 = arith.constant 1 : i32
    %dma_wait3A_102 = arith.constant 0 : i32
    %dma_wait3A_103 = arith.constant 0 : i32
    %dma_wait3A_104 = tpu.memref_slice %arg10[%dma_wait3A_101, %dma_wait3A_102, %dma_wait3A_103] : memref<2x128x128xi32, #tpu.memory_space<vmem>> -> memref<1x128x128xi32, #tpu.memory_space<vmem>>
    %dma_wait3A_105 = tpu.memref_squeeze %dma_wait3A_104 : memref<1x128x128xi32, #tpu.memory_space<vmem>> -> memref<128x128xi32, #tpu.memory_space<vmem>>
    %dma_wait3A_106 = arith.constant 0 : i32
    %dma_wait3A_107 = tpu.memref_slice %arg8[%dma_wait3A_100, %dma_wait3A_106] : memref<4x128xi32, #tpu.memory_space<vmem>> -> memref<1x128xi32, #tpu.memory_space<vmem>>
    %dma_wait3A_108 = tpu.memref_squeeze %dma_wait3A_107 : memref<1x128xi32, #tpu.memory_space<vmem>> -> memref<128xi32, #tpu.memory_space<vmem>>
    %dma_wait3A_109 = arith.constant 0 : i32
    %dma_wait3A_110 = arith.constant 0 : i32
    %dma_wait3A_111 = tpu.memref_slice %arg4[%dma_wait3A_109, %dma_wait3A_110] : memref<256000x128xi32, #tpu.memory_space<hbm>> -> memref<256000x128xi32, #tpu.memory_space<hbm>>
    tpu.wait_indirect_dma semaphore(%arg12 : memref<!tpu.dma_semaphore, #tpu.memory_space<semaphore_mem>>) src(%dma_wait3A_111 : memref<256000x128xi32, #tpu.memory_space<hbm>>) dst(%dma_wait3A_105 : memref<128x128xi32, #tpu.memory_space<vmem>>)
    %dma_wait3A_112 = arith.constant 1 : i32
    %dma_wait3A_113 = arith.constant 1 : i32
    %dma_wait3A_114 = arith.constant 0 : i32
    %dma_wait3A_115 = arith.constant 0 : i32
    %dma_wait3A_116 = tpu.memref_slice %arg11[%dma_wait3A_113, %dma_wait3A_114, %dma_wait3A_115] : memref<2x128x128xi32, #tpu.memory_space<vmem>> -> memref<1x128x128xi32, #tpu.memory_space<vmem>>
    %dma_wait3A_117 = tpu.memref_squeeze %dma_wait3A_116 : memref<1x128x128xi32, #tpu.memory_space<vmem>> -> memref<128x128xi32, #tpu.memory_space<vmem>>
    %dma_wait3A_118 = arith.constant 0 : i32
    %dma_wait3A_119 = tpu.memref_slice %arg9[%dma_wait3A_112, %dma_wait3A_118] : memref<4x128xi32, #tpu.memory_space<vmem>> -> memref<1x128xi32, #tpu.memory_space<vmem>>
    %dma_wait3A_120 = tpu.memref_squeeze %dma_wait3A_119 : memref<1x128xi32, #tpu.memory_space<vmem>> -> memref<128xi32, #tpu.memory_space<vmem>>
    %dma_wait3A_121 = arith.constant 0 : i32
    %dma_wait3A_122 = arith.constant 0 : i32
    %dma_wait3A_123 = tpu.memref_slice %arg5[%dma_wait3A_121, %dma_wait3A_122] : memref<256000x128xi32, #tpu.memory_space<hbm>> -> memref<256000x128xi32, #tpu.memory_space<hbm>>
    tpu.wait_indirect_dma semaphore(%arg12 : memref<!tpu.dma_semaphore, #tpu.memory_space<semaphore_mem>>) src(%dma_wait3A_123 : memref<256000x128xi32, #tpu.memory_space<hbm>>) dst(%dma_wait3A_117 : memref<128x128xi32, #tpu.memory_space<vmem>>)
    %add3A_124 = arith.constant 128 : i32
    %add3A_125 = arith.addi %mul3A_2, %add3A_124 : i32
    %run_scoped3A_126 = arith.constant 1 : i32
    "tpu.region"() ({
      %run_scoped3A_208 = tpu.sem_alloc : memref<!tpu.dma_semaphore, #tpu.memory_space<semaphore_mem>>
      %dma_start3A_209 = arith.constant 0 : i32
      %dma_start3A_210 = arith.constant 0 : i32
      %dma_start3A_211 = tpu.memref_slice %arg10[%run_scoped3A_126, %dma_start3A_209, %dma_start3A_210] : memref<2x128x128xi32, #tpu.memory_space<vmem>> -> memref<1x128x128xi32, #tpu.memory_space<vmem>>
      %dma_start3A_212 = tpu.memref_squeeze %dma_start3A_211 : memref<1x128x128xi32, #tpu.memory_space<vmem>> -> memref<128x128xi32, #tpu.memory_space<vmem>>
      %dma_start3A_213 = arith.constant 0 : i32
      %dma_start3A_214 = tpu.memref_slice %arg6[%add3A_125, %dma_start3A_213] : memref<16384x128xi32, #tpu.memory_space<hbm>> -> memref<128x128xi32, #tpu.memory_space<hbm>>
      %dma_start3A_215 = arith.constant 0 : i32
      %dma_start3A_216 = tpu.memref_slice %arg6[%add3A_125, %dma_start3A_215] : memref<16384x128xi32, #tpu.memory_space<hbm>> -> memref<128x128xi32, #tpu.memory_space<hbm>>
      %dma_start3A_217 = arith.constant 0 : i32
      %dma_start3A_218 = arith.constant 0 : i32
      %dma_start3A_219 = tpu.memref_slice %arg10[%run_scoped3A_126, %dma_start3A_217, %dma_start3A_218] : memref<2x128x128xi32, #tpu.memory_space<vmem>> -> memref<1x128x128xi32, #tpu.memory_space<vmem>>
      %dma_start3A_220 = tpu.memref_squeeze %dma_start3A_219 : memref<1x128x128xi32, #tpu.memory_space<vmem>> -> memref<128x128xi32, #tpu.memory_space<vmem>>
      tpu.enqueue_dma source(%dma_start3A_220 : memref<128x128xi32, #tpu.memory_space<vmem>>) target(%dma_start3A_216 : memref<128x128xi32, #tpu.memory_space<hbm>>) target_semaphore(%run_scoped3A_208 : memref<!tpu.dma_semaphore, #tpu.memory_space<semaphore_mem>>)
      %dma_wait3A_221 = arith.constant 0 : i32
      %dma_wait3A_222 = arith.constant 0 : i32
      %dma_wait3A_223 = tpu.memref_slice %arg10[%run_scoped3A_126, %dma_wait3A_221, %dma_wait3A_222] : memref<2x128x128xi32, #tpu.memory_space<vmem>> -> memref<1x128x128xi32, #tpu.memory_space<vmem>>
      %dma_wait3A_224 = tpu.memref_squeeze %dma_wait3A_223 : memref<1x128x128xi32, #tpu.memory_space<vmem>> -> memref<128x128xi32, #tpu.memory_space<vmem>>
      %dma_wait3A_225 = arith.constant 0 : i32
      %dma_wait3A_226 = tpu.memref_slice %arg6[%add3A_125, %dma_wait3A_225] : memref<16384x128xi32, #tpu.memory_space<hbm>> -> memref<128x128xi32, #tpu.memory_space<hbm>>
      %dma_wait3A_227 = arith.constant 0 : i32
      %dma_wait3A_228 = tpu.memref_slice %arg6[%add3A_125, %dma_wait3A_227] : memref<16384x128xi32, #tpu.memory_space<hbm>> -> memref<128x128xi32, #tpu.memory_space<hbm>>
      %dma_wait3A_229 = arith.constant 0 : i32
      %dma_wait3A_230 = arith.constant 0 : i32
      %dma_wait3A_231 = tpu.memref_slice %arg10[%run_scoped3A_126, %dma_wait3A_229, %dma_wait3A_230] : memref<2x128x128xi32, #tpu.memory_space<vmem>> -> memref<1x128x128xi32, #tpu.memory_space<vmem>>
      %dma_wait3A_232 = tpu.memref_squeeze %dma_wait3A_231 : memref<1x128x128xi32, #tpu.memory_space<vmem>> -> memref<128x128xi32, #tpu.memory_space<vmem>>
      tpu.wait_dma2 semaphore(%run_scoped3A_208 : memref<!tpu.dma_semaphore, #tpu.memory_space<semaphore_mem>>) src(%dma_wait3A_232 : memref<128x128xi32, #tpu.memory_space<vmem>>) dst(%dma_wait3A_228 : memref<128x128xi32, #tpu.memory_space<hbm>>)
      tpu.yield
    }) : () -> ()
    %run_scoped3A_127 = arith.constant 1 : i32
    "tpu.region"() ({
      %run_scoped3A_208 = tpu.sem_alloc : memref<!tpu.dma_semaphore, #tpu.memory_space<semaphore_mem>>
      %dma_start3A_209 = arith.constant 0 : i32
      %dma_start3A_210 = arith.constant 0 : i32
      %dma_start3A_211 = tpu.memref_slice %arg11[%run_scoped3A_127, %dma_start3A_209, %dma_start3A_210] : memref<2x128x128xi32, #tpu.memory_space<vmem>> -> memref<1x128x128xi32, #tpu.memory_space<vmem>>
      %dma_start3A_212 = tpu.memref_squeeze %dma_start3A_211 : memref<1x128x128xi32, #tpu.memory_space<vmem>> -> memref<128x128xi32, #tpu.memory_space<vmem>>
      %dma_start3A_213 = arith.constant 0 : i32
      %dma_start3A_214 = tpu.memref_slice %arg7[%add3A_125, %dma_start3A_213] : memref<16384x128xi32, #tpu.memory_space<hbm>> -> memref<128x128xi32, #tpu.memory_space<hbm>>
      %dma_start3A_215 = arith.constant 0 : i32
      %dma_start3A_216 = tpu.memref_slice %arg7[%add3A_125, %dma_start3A_215] : memref<16384x128xi32, #tpu.memory_space<hbm>> -> memref<128x128xi32, #tpu.memory_space<hbm>>
      %dma_start3A_217 = arith.constant 0 : i32
      %dma_start3A_218 = arith.constant 0 : i32
      %dma_start3A_219 = tpu.memref_slice %arg11[%run_scoped3A_127, %dma_start3A_217, %dma_start3A_218] : memref<2x128x128xi32, #tpu.memory_space<vmem>> -> memref<1x128x128xi32, #tpu.memory_space<vmem>>
      %dma_start3A_220 = tpu.memref_squeeze %dma_start3A_219 : memref<1x128x128xi32, #tpu.memory_space<vmem>> -> memref<128x128xi32, #tpu.memory_space<vmem>>
      tpu.enqueue_dma source(%dma_start3A_220 : memref<128x128xi32, #tpu.memory_space<vmem>>) target(%dma_start3A_216 : memref<128x128xi32, #tpu.memory_space<hbm>>) target_semaphore(%run_scoped3A_208 : memref<!tpu.dma_semaphore, #tpu.memory_space<semaphore_mem>>)
      %dma_wait3A_221 = arith.constant 0 : i32
      %dma_wait3A_222 = arith.constant 0 : i32
      %dma_wait3A_223 = tpu.memref_slice %arg11[%run_scoped3A_127, %dma_wait3A_221, %dma_wait3A_222] : memref<2x128x128xi32, #tpu.memory_space<vmem>> -> memref<1x128x128xi32, #tpu.memory_space<vmem>>
      %dma_wait3A_224 = tpu.memref_squeeze %dma_wait3A_223 : memref<1x128x128xi32, #tpu.memory_space<vmem>> -> memref<128x128xi32, #tpu.memory_space<vmem>>
      %dma_wait3A_225 = arith.constant 0 : i32
      %dma_wait3A_226 = tpu.memref_slice %arg7[%add3A_125, %dma_wait3A_225] : memref<16384x128xi32, #tpu.memory_space<hbm>> -> memref<128x128xi32, #tpu.memory_space<hbm>>
      %dma_wait3A_227 = arith.constant 0 : i32
      %dma_wait3A_228 = tpu.memref_slice %arg7[%add3A_125, %dma_wait3A_227] : memref<16384x128xi32, #tpu.memory_space<hbm>> -> memref<128x128xi32, #tpu.memory_space<hbm>>
      %dma_wait3A_229 = arith.constant 0 : i32
      %dma_wait3A_230 = arith.constant 0 : i32
      %dma_wait3A_231 = tpu.memref_slice %arg11[%run_scoped3A_127, %dma_wait3A_229, %dma_wait3A_230] : memref<2x128x128xi32, #tpu.memory_space<vmem>> -> memref<1x128x128xi32, #tpu.memory_space<vmem>>
      %dma_wait3A_232 = tpu.memref_squeeze %dma_wait3A_231 : memref<1x128x128xi32, #tpu.memory_space<vmem>> -> memref<128x128xi32, #tpu.memory_space<vmem>>
      tpu.wait_dma2 semaphore(%run_scoped3A_208 : memref<!tpu.dma_semaphore, #tpu.memory_space<semaphore_mem>>) src(%dma_wait3A_232 : memref<128x128xi32, #tpu.memory_space<vmem>>) dst(%dma_wait3A_228 : memref<128x128xi32, #tpu.memory_space<hbm>>)
      tpu.yield
    }) : () -> ()
    %dma_start3A_128 = arith.constant 3 : i32
    %dma_start3A_129 = arith.constant 1 : i32
    %dma_start3A_130 = arith.constant 0 : i32
    %dma_start3A_131 = arith.constant 0 : i32
    %dma_start3A_132 = tpu.memref_slice %arg10[%dma_start3A_129, %dma_start3A_130, %dma_start3A_131] : memref<2x128x128xi32, #tpu.memory_space<vmem>> -> memref<1x128x128xi32, #tpu.memory_space<vmem>>
    %dma_start3A_133 = tpu.memref_squeeze %dma_start3A_132 : memref<1x128x128xi32, #tpu.memory_space<vmem>> -> memref<128x128xi32, #tpu.memory_space<vmem>>
    %dma_start3A_134 = arith.constant 0 : i32
    %dma_start3A_135 = tpu.memref_slice %arg8[%dma_start3A_128, %dma_start3A_134] : memref<4x128xi32, #tpu.memory_space<vmem>> -> memref<1x128xi32, #tpu.memory_space<vmem>>
    %dma_start3A_136 = tpu.memref_squeeze %dma_start3A_135 : memref<1x128xi32, #tpu.memory_space<vmem>> -> memref<128xi32, #tpu.memory_space<vmem>>
    %dma_start3A_137 = arith.constant 0 : i32
    %dma_start3A_138 = arith.constant 0 : i32
    %dma_start3A_139 = tpu.memref_slice %arg4[%dma_start3A_137, %dma_start3A_138] : memref<256000x128xi32, #tpu.memory_space<hbm>> -> memref<256000x128xi32, #tpu.memory_space<hbm>>
    tpu.enqueue_indirect_dma source(%dma_start3A_139 : memref<256000x128xi32, #tpu.memory_space<hbm>>) target(%dma_start3A_133 : memref<128x128xi32, #tpu.memory_space<vmem>>) offsets(%dma_start3A_136 : memref<128xi32, #tpu.memory_space<vmem>>) semaphore(%arg12 : memref<!tpu.dma_semaphore, #tpu.memory_space<semaphore_mem>>)
    %dma_start3A_140 = arith.constant 3 : i32
    %dma_start3A_141 = arith.constant 1 : i32
    %dma_start3A_142 = arith.constant 0 : i32
    %dma_start3A_143 = arith.constant 0 : i32
    %dma_start3A_144 = tpu.memref_slice %arg11[%dma_start3A_141, %dma_start3A_142, %dma_start3A_143] : memref<2x128x128xi32, #tpu.memory_space<vmem>> -> memref<1x128x128xi32, #tpu.memory_space<vmem>>
    %dma_start3A_145 = tpu.memref_squeeze %dma_start3A_144 : memref<1x128x128xi32, #tpu.memory_space<vmem>> -> memref<128x128xi32, #tpu.memory_space<vmem>>
    %dma_start3A_146 = arith.constant 0 : i32
    %dma_start3A_147 = tpu.memref_slice %arg9[%dma_start3A_140, %dma_start3A_146] : memref<4x128xi32, #tpu.memory_space<vmem>> -> memref<1x128xi32, #tpu.memory_space<vmem>>
    %dma_start3A_148 = tpu.memref_squeeze %dma_start3A_147 : memref<1x128xi32, #tpu.memory_space<vmem>> -> memref<128xi32, #tpu.memory_space<vmem>>
    %dma_start3A_149 = arith.constant 0 : i32
    %dma_start3A_150 = arith.constant 0 : i32
    %dma_start3A_151 = tpu.memref_slice %arg5[%dma_start3A_149, %dma_start3A_150] : memref<256000x128xi32, #tpu.memory_space<hbm>> -> memref<256000x128xi32, #tpu.memory_space<hbm>>
    tpu.enqueue_indirect_dma source(%dma_start3A_151 : memref<256000x128xi32, #tpu.memory_space<hbm>>) target(%dma_start3A_145 : memref<128x128xi32, #tpu.memory_space<vmem>>) offsets(%dma_start3A_148 : memref<128xi32, #tpu.memory_space<vmem>>) semaphore(%arg12 : memref<!tpu.dma_semaphore, #tpu.memory_space<semaphore_mem>>)
    %dma_wait3A_152 = arith.constant 2 : i32
    %dma_wait3A_153 = arith.constant 0 : i32
    %dma_wait3A_154 = arith.constant 0 : i32
    %dma_wait3A_155 = arith.constant 0 : i32
    %dma_wait3A_156 = tpu.memref_slice %arg10[%dma_wait3A_153, %dma_wait3A_154, %dma_wait3A_155] : memref<2x128x128xi32, #tpu.memory_space<vmem>> -> memref<1x128x128xi32, #tpu.memory_space<vmem>>
    %dma_wait3A_157 = tpu.memref_squeeze %dma_wait3A_156 : memref<1x128x128xi32, #tpu.memory_space<vmem>> -> memref<128x128xi32, #tpu.memory_space<vmem>>
    %dma_wait3A_158 = arith.constant 0 : i32
    %dma_wait3A_159 = tpu.memref_slice %arg8[%dma_wait3A_152, %dma_wait3A_158] : memref<4x128xi32, #tpu.memory_space<vmem>> -> memref<1x128xi32, #tpu.memory_space<vmem>>
    %dma_wait3A_160 = tpu.memref_squeeze %dma_wait3A_159 : memref<1x128xi32, #tpu.memory_space<vmem>> -> memref<128xi32, #tpu.memory_space<vmem>>
    %dma_wait3A_161 = arith.constant 0 : i32
    %dma_wait3A_162 = arith.constant 0 : i32
    %dma_wait3A_163 = tpu.memref_slice %arg4[%dma_wait3A_161, %dma_wait3A_162] : memref<256000x128xi32, #tpu.memory_space<hbm>> -> memref<256000x128xi32, #tpu.memory_space<hbm>>
    tpu.wait_indirect_dma semaphore(%arg12 : memref<!tpu.dma_semaphore, #tpu.memory_space<semaphore_mem>>) src(%dma_wait3A_163 : memref<256000x128xi32, #tpu.memory_space<hbm>>) dst(%dma_wait3A_157 : memref<128x128xi32, #tpu.memory_space<vmem>>)
    %dma_wait3A_164 = arith.constant 2 : i32
    %dma_wait3A_165 = arith.constant 0 : i32
    %dma_wait3A_166 = arith.constant 0 : i32
    %dma_wait3A_167 = arith.constant 0 : i32
    %dma_wait3A_168 = tpu.memref_slice %arg11[%dma_wait3A_165, %dma_wait3A_166, %dma_wait3A_167] : memref<2x128x128xi32, #tpu.memory_space<vmem>> -> memref<1x128x128xi32, #tpu.memory_space<vmem>>
    %dma_wait3A_169 = tpu.memref_squeeze %dma_wait3A_168 : memref<1x128x128xi32, #tpu.memory_space<vmem>> -> memref<128x128xi32, #tpu.memory_space<vmem>>
    %dma_wait3A_170 = arith.constant 0 : i32
    %dma_wait3A_171 = tpu.memref_slice %arg9[%dma_wait3A_164, %dma_wait3A_170] : memref<4x128xi32, #tpu.memory_space<vmem>> -> memref<1x128xi32, #tpu.memory_space<vmem>>
    %dma_wait3A_172 = tpu.memref_squeeze %dma_wait3A_171 : memref<1x128xi32, #tpu.memory_space<vmem>> -> memref<128xi32, #tpu.memory_space<vmem>>
    %dma_wait3A_173 = arith.constant 0 : i32
    %dma_wait3A_174 = arith.constant 0 : i32
    %dma_wait3A_175 = tpu.memref_slice %arg5[%dma_wait3A_173, %dma_wait3A_174] : memref<256000x128xi32, #tpu.memory_space<hbm>> -> memref<256000x128xi32, #tpu.memory_space<hbm>>
    tpu.wait_indirect_dma semaphore(%arg12 : memref<!tpu.dma_semaphore, #tpu.memory_space<semaphore_mem>>) src(%dma_wait3A_175 : memref<256000x128xi32, #tpu.memory_space<hbm>>) dst(%dma_wait3A_169 : memref<128x128xi32, #tpu.memory_space<vmem>>)
    %add3A_176 = arith.constant 256 : i32
    %add3A_177 = arith.addi %mul3A_2, %add3A_176 : i32
    %run_scoped3A_178 = arith.constant 0 : i32
    "tpu.region"() ({
      %run_scoped3A_208 = tpu.sem_alloc : memref<!tpu.dma_semaphore, #tpu.memory_space<semaphore_mem>>
      %dma_start3A_209 = arith.constant 0 : i32
      %dma_start3A_210 = arith.constant 0 : i32
      %dma_start3A_211 = tpu.memref_slice %arg10[%run_scoped3A_178, %dma_start3A_209, %dma_start3A_210] : memref<2x128x128xi32, #tpu.memory_space<vmem>> -> memref<1x128x128xi32, #tpu.memory_space<vmem>>
      %dma_start3A_212 = tpu.memref_squeeze %dma_start3A_211 : memref<1x128x128xi32, #tpu.memory_space<vmem>> -> memref<128x128xi32, #tpu.memory_space<vmem>>
      %dma_start3A_213 = arith.constant 0 : i32
      %dma_start3A_214 = tpu.memref_slice %arg6[%add3A_177, %dma_start3A_213] : memref<16384x128xi32, #tpu.memory_space<hbm>> -> memref<128x128xi32, #tpu.memory_space<hbm>>
      %dma_start3A_215 = arith.constant 0 : i32
      %dma_start3A_216 = tpu.memref_slice %arg6[%add3A_177, %dma_start3A_215] : memref<16384x128xi32, #tpu.memory_space<hbm>> -> memref<128x128xi32, #tpu.memory_space<hbm>>
      %dma_start3A_217 = arith.constant 0 : i32
      %dma_start3A_218 = arith.constant 0 : i32
      %dma_start3A_219 = tpu.memref_slice %arg10[%run_scoped3A_178, %dma_start3A_217, %dma_start3A_218] : memref<2x128x128xi32, #tpu.memory_space<vmem>> -> memref<1x128x128xi32, #tpu.memory_space<vmem>>
      %dma_start3A_220 = tpu.memref_squeeze %dma_start3A_219 : memref<1x128x128xi32, #tpu.memory_space<vmem>> -> memref<128x128xi32, #tpu.memory_space<vmem>>
      tpu.enqueue_dma source(%dma_start3A_220 : memref<128x128xi32, #tpu.memory_space<vmem>>) target(%dma_start3A_216 : memref<128x128xi32, #tpu.memory_space<hbm>>) target_semaphore(%run_scoped3A_208 : memref<!tpu.dma_semaphore, #tpu.memory_space<semaphore_mem>>)
      %dma_wait3A_221 = arith.constant 0 : i32
      %dma_wait3A_222 = arith.constant 0 : i32
      %dma_wait3A_223 = tpu.memref_slice %arg10[%run_scoped3A_178, %dma_wait3A_221, %dma_wait3A_222] : memref<2x128x128xi32, #tpu.memory_space<vmem>> -> memref<1x128x128xi32, #tpu.memory_space<vmem>>
      %dma_wait3A_224 = tpu.memref_squeeze %dma_wait3A_223 : memref<1x128x128xi32, #tpu.memory_space<vmem>> -> memref<128x128xi32, #tpu.memory_space<vmem>>
      %dma_wait3A_225 = arith.constant 0 : i32
      %dma_wait3A_226 = tpu.memref_slice %arg6[%add3A_177, %dma_wait3A_225] : memref<16384x128xi32, #tpu.memory_space<hbm>> -> memref<128x128xi32, #tpu.memory_space<hbm>>
      %dma_wait3A_227 = arith.constant 0 : i32
      %dma_wait3A_228 = tpu.memref_slice %arg6[%add3A_177, %dma_wait3A_227] : memref<16384x128xi32, #tpu.memory_space<hbm>> -> memref<128x128xi32, #tpu.memory_space<hbm>>
      %dma_wait3A_229 = arith.constant 0 : i32
      %dma_wait3A_230 = arith.constant 0 : i32
      %dma_wait3A_231 = tpu.memref_slice %arg10[%run_scoped3A_178, %dma_wait3A_229, %dma_wait3A_230] : memref<2x128x128xi32, #tpu.memory_space<vmem>> -> memref<1x128x128xi32, #tpu.memory_space<vmem>>
      %dma_wait3A_232 = tpu.memref_squeeze %dma_wait3A_231 : memref<1x128x128xi32, #tpu.memory_space<vmem>> -> memref<128x128xi32, #tpu.memory_space<vmem>>
      tpu.wait_dma2 semaphore(%run_scoped3A_208 : memref<!tpu.dma_semaphore, #tpu.memory_space<semaphore_mem>>) src(%dma_wait3A_232 : memref<128x128xi32, #tpu.memory_space<vmem>>) dst(%dma_wait3A_228 : memref<128x128xi32, #tpu.memory_space<hbm>>)
      tpu.yield
    }) : () -> ()
    %run_scoped3A_179 = arith.constant 0 : i32
    "tpu.region"() ({
      %run_scoped3A_208 = tpu.sem_alloc : memref<!tpu.dma_semaphore, #tpu.memory_space<semaphore_mem>>
      %dma_start3A_209 = arith.constant 0 : i32
      %dma_start3A_210 = arith.constant 0 : i32
      %dma_start3A_211 = tpu.memref_slice %arg11[%run_scoped3A_179, %dma_start3A_209, %dma_start3A_210] : memref<2x128x128xi32, #tpu.memory_space<vmem>> -> memref<1x128x128xi32, #tpu.memory_space<vmem>>
      %dma_start3A_212 = tpu.memref_squeeze %dma_start3A_211 : memref<1x128x128xi32, #tpu.memory_space<vmem>> -> memref<128x128xi32, #tpu.memory_space<vmem>>
      %dma_start3A_213 = arith.constant 0 : i32
      %dma_start3A_214 = tpu.memref_slice %arg7[%add3A_177, %dma_start3A_213] : memref<16384x128xi32, #tpu.memory_space<hbm>> -> memref<128x128xi32, #tpu.memory_space<hbm>>
      %dma_start3A_215 = arith.constant 0 : i32
      %dma_start3A_216 = tpu.memref_slice %arg7[%add3A_177, %dma_start3A_215] : memref<16384x128xi32, #tpu.memory_space<hbm>> -> memref<128x128xi32, #tpu.memory_space<hbm>>
      %dma_start3A_217 = arith.constant 0 : i32
      %dma_start3A_218 = arith.constant 0 : i32
      %dma_start3A_219 = tpu.memref_slice %arg11[%run_scoped3A_179, %dma_start3A_217, %dma_start3A_218] : memref<2x128x128xi32, #tpu.memory_space<vmem>> -> memref<1x128x128xi32, #tpu.memory_space<vmem>>
      %dma_start3A_220 = tpu.memref_squeeze %dma_start3A_219 : memref<1x128x128xi32, #tpu.memory_space<vmem>> -> memref<128x128xi32, #tpu.memory_space<vmem>>
      tpu.enqueue_dma source(%dma_start3A_220 : memref<128x128xi32, #tpu.memory_space<vmem>>) target(%dma_start3A_216 : memref<128x128xi32, #tpu.memory_space<hbm>>) target_semaphore(%run_scoped3A_208 : memref<!tpu.dma_semaphore, #tpu.memory_space<semaphore_mem>>)
      %dma_wait3A_221 = arith.constant 0 : i32
      %dma_wait3A_222 = arith.constant 0 : i32
      %dma_wait3A_223 = tpu.memref_slice %arg11[%run_scoped3A_179, %dma_wait3A_221, %dma_wait3A_222] : memref<2x128x128xi32, #tpu.memory_space<vmem>> -> memref<1x128x128xi32, #tpu.memory_space<vmem>>
      %dma_wait3A_224 = tpu.memref_squeeze %dma_wait3A_223 : memref<1x128x128xi32, #tpu.memory_space<vmem>> -> memref<128x128xi32, #tpu.memory_space<vmem>>
      %dma_wait3A_225 = arith.constant 0 : i32
      %dma_wait3A_226 = tpu.memref_slice %arg7[%add3A_177, %dma_wait3A_225] : memref<16384x128xi32, #tpu.memory_space<hbm>> -> memref<128x128xi32, #tpu.memory_space<hbm>>
      %dma_wait3A_227 = arith.constant 0 : i32
      %dma_wait3A_228 = tpu.memref_slice %arg7[%add3A_177, %dma_wait3A_227] : memref<16384x128xi32, #tpu.memory_space<hbm>> -> memref<128x128xi32, #tpu.memory_space<hbm>>
      %dma_wait3A_229 = arith.constant 0 : i32
      %dma_wait3A_230 = arith.constant 0 : i32
      %dma_wait3A_231 = tpu.memref_slice %arg11[%run_scoped3A_179, %dma_wait3A_229, %dma_wait3A_230] : memref<2x128x128xi32, #tpu.memory_space<vmem>> -> memref<1x128x128xi32, #tpu.memory_space<vmem>>
      %dma_wait3A_232 = tpu.memref_squeeze %dma_wait3A_231 : memref<1x128x128xi32, #tpu.memory_space<vmem>> -> memref<128x128xi32, #tpu.memory_space<vmem>>
      tpu.wait_dma2 semaphore(%run_scoped3A_208 : memref<!tpu.dma_semaphore, #tpu.memory_space<semaphore_mem>>) src(%dma_wait3A_232 : memref<128x128xi32, #tpu.memory_space<vmem>>) dst(%dma_wait3A_228 : memref<128x128xi32, #tpu.memory_space<hbm>>)
      tpu.yield
    }) : () -> ()
    %dma_wait3A_180 = arith.constant 3 : i32
    %dma_wait3A_181 = arith.constant 1 : i32
    %dma_wait3A_182 = arith.constant 0 : i32
    %dma_wait3A_183 = arith.constant 0 : i32
    %dma_wait3A_184 = tpu.memref_slice %arg10[%dma_wait3A_181, %dma_wait3A_182, %dma_wait3A_183] : memref<2x128x128xi32, #tpu.memory_space<vmem>> -> memref<1x128x128xi32, #tpu.memory_space<vmem>>
    %dma_wait3A_185 = tpu.memref_squeeze %dma_wait3A_184 : memref<1x128x128xi32, #tpu.memory_space<vmem>> -> memref<128x128xi32, #tpu.memory_space<vmem>>
    %dma_wait3A_186 = arith.constant 0 : i32
    %dma_wait3A_187 = tpu.memref_slice %arg8[%dma_wait3A_180, %dma_wait3A_186] : memref<4x128xi32, #tpu.memory_space<vmem>> -> memref<1x128xi32, #tpu.memory_space<vmem>>
    %dma_wait3A_188 = tpu.memref_squeeze %dma_wait3A_187 : memref<1x128xi32, #tpu.memory_space<vmem>> -> memref<128xi32, #tpu.memory_space<vmem>>
    %dma_wait3A_189 = arith.constant 0 : i32
    %dma_wait3A_190 = arith.constant 0 : i32
    %dma_wait3A_191 = tpu.memref_slice %arg4[%dma_wait3A_189, %dma_wait3A_190] : memref<256000x128xi32, #tpu.memory_space<hbm>> -> memref<256000x128xi32, #tpu.memory_space<hbm>>
    tpu.wait_indirect_dma semaphore(%arg12 : memref<!tpu.dma_semaphore, #tpu.memory_space<semaphore_mem>>) src(%dma_wait3A_191 : memref<256000x128xi32, #tpu.memory_space<hbm>>) dst(%dma_wait3A_185 : memref<128x128xi32, #tpu.memory_space<vmem>>)
    %dma_wait3A_192 = arith.constant 3 : i32
    %dma_wait3A_193 = arith.constant 1 : i32
    %dma_wait3A_194 = arith.constant 0 : i32
    %dma_wait3A_195 = arith.constant 0 : i32
    %dma_wait3A_196 = tpu.memref_slice %arg11[%dma_wait3A_193, %dma_wait3A_194, %dma_wait3A_195] : memref<2x128x128xi32, #tpu.memory_space<vmem>> -> memref<1x128x128xi32, #tpu.memory_space<vmem>>
    %dma_wait3A_197 = tpu.memref_squeeze %dma_wait3A_196 : memref<1x128x128xi32, #tpu.memory_space<vmem>> -> memref<128x128xi32, #tpu.memory_space<vmem>>
    %dma_wait3A_198 = arith.constant 0 : i32
    %dma_wait3A_199 = tpu.memref_slice %arg9[%dma_wait3A_192, %dma_wait3A_198] : memref<4x128xi32, #tpu.memory_space<vmem>> -> memref<1x128xi32, #tpu.memory_space<vmem>>
    %dma_wait3A_200 = tpu.memref_squeeze %dma_wait3A_199 : memref<1x128xi32, #tpu.memory_space<vmem>> -> memref<128xi32, #tpu.memory_space<vmem>>
    %dma_wait3A_201 = arith.constant 0 : i32
    %dma_wait3A_202 = arith.constant 0 : i32
    %dma_wait3A_203 = tpu.memref_slice %arg5[%dma_wait3A_201, %dma_wait3A_202] : memref<256000x128xi32, #tpu.memory_space<hbm>> -> memref<256000x128xi32, #tpu.memory_space<hbm>>
    tpu.wait_indirect_dma semaphore(%arg12 : memref<!tpu.dma_semaphore, #tpu.memory_space<semaphore_mem>>) src(%dma_wait3A_203 : memref<256000x128xi32, #tpu.memory_space<hbm>>) dst(%dma_wait3A_197 : memref<128x128xi32, #tpu.memory_space<vmem>>)
    %add3A_204 = arith.constant 384 : i32
    %add3A_205 = arith.addi %mul3A_2, %add3A_204 : i32
    %run_scoped3A_206 = arith.constant 1 : i32
    "tpu.region"() ({
      %run_scoped3A_208 = tpu.sem_alloc : memref<!tpu.dma_semaphore, #tpu.memory_space<semaphore_mem>>
      %dma_start3A_209 = arith.constant 0 : i32
      %dma_start3A_210 = arith.constant 0 : i32
      %dma_start3A_211 = tpu.memref_slice %arg10[%run_scoped3A_206, %dma_start3A_209, %dma_start3A_210] : memref<2x128x128xi32, #tpu.memory_space<vmem>> -> memref<1x128x128xi32, #tpu.memory_space<vmem>>
      %dma_start3A_212 = tpu.memref_squeeze %dma_start3A_211 : memref<1x128x128xi32, #tpu.memory_space<vmem>> -> memref<128x128xi32, #tpu.memory_space<vmem>>
      %dma_start3A_213 = arith.constant 0 : i32
      %dma_start3A_214 = tpu.memref_slice %arg6[%add3A_205, %dma_start3A_213] : memref<16384x128xi32, #tpu.memory_space<hbm>> -> memref<128x128xi32, #tpu.memory_space<hbm>>
      %dma_start3A_215 = arith.constant 0 : i32
      %dma_start3A_216 = tpu.memref_slice %arg6[%add3A_205, %dma_start3A_215] : memref<16384x128xi32, #tpu.memory_space<hbm>> -> memref<128x128xi32, #tpu.memory_space<hbm>>
      %dma_start3A_217 = arith.constant 0 : i32
      %dma_start3A_218 = arith.constant 0 : i32
      %dma_start3A_219 = tpu.memref_slice %arg10[%run_scoped3A_206, %dma_start3A_217, %dma_start3A_218] : memref<2x128x128xi32, #tpu.memory_space<vmem>> -> memref<1x128x128xi32, #tpu.memory_space<vmem>>
      %dma_start3A_220 = tpu.memref_squeeze %dma_start3A_219 : memref<1x128x128xi32, #tpu.memory_space<vmem>> -> memref<128x128xi32, #tpu.memory_space<vmem>>
      tpu.enqueue_dma source(%dma_start3A_220 : memref<128x128xi32, #tpu.memory_space<vmem>>) target(%dma_start3A_216 : memref<128x128xi32, #tpu.memory_space<hbm>>) target_semaphore(%run_scoped3A_208 : memref<!tpu.dma_semaphore, #tpu.memory_space<semaphore_mem>>)
      %dma_wait3A_221 = arith.constant 0 : i32
      %dma_wait3A_222 = arith.constant 0 : i32
      %dma_wait3A_223 = tpu.memref_slice %arg10[%run_scoped3A_206, %dma_wait3A_221, %dma_wait3A_222] : memref<2x128x128xi32, #tpu.memory_space<vmem>> -> memref<1x128x128xi32, #tpu.memory_space<vmem>>
      %dma_wait3A_224 = tpu.memref_squeeze %dma_wait3A_223 : memref<1x128x128xi32, #tpu.memory_space<vmem>> -> memref<128x128xi32, #tpu.memory_space<vmem>>
      %dma_wait3A_225 = arith.constant 0 : i32
      %dma_wait3A_226 = tpu.memref_slice %arg6[%add3A_205, %dma_wait3A_225] : memref<16384x128xi32, #tpu.memory_space<hbm>> -> memref<128x128xi32, #tpu.memory_space<hbm>>
      %dma_wait3A_227 = arith.constant 0 : i32
      %dma_wait3A_228 = tpu.memref_slice %arg6[%add3A_205, %dma_wait3A_227] : memref<16384x128xi32, #tpu.memory_space<hbm>> -> memref<128x128xi32, #tpu.memory_space<hbm>>
      %dma_wait3A_229 = arith.constant 0 : i32
      %dma_wait3A_230 = arith.constant 0 : i32
      %dma_wait3A_231 = tpu.memref_slice %arg10[%run_scoped3A_206, %dma_wait3A_229, %dma_wait3A_230] : memref<2x128x128xi32, #tpu.memory_space<vmem>> -> memref<1x128x128xi32, #tpu.memory_space<vmem>>
      %dma_wait3A_232 = tpu.memref_squeeze %dma_wait3A_231 : memref<1x128x128xi32, #tpu.memory_space<vmem>> -> memref<128x128xi32, #tpu.memory_space<vmem>>
      tpu.wait_dma2 semaphore(%run_scoped3A_208 : memref<!tpu.dma_semaphore, #tpu.memory_space<semaphore_mem>>) src(%dma_wait3A_232 : memref<128x128xi32, #tpu.memory_space<vmem>>) dst(%dma_wait3A_228 : memref<128x128xi32, #tpu.memory_space<hbm>>)
      tpu.yield
    }) : () -> ()
    %run_scoped3A_207 = arith.constant 1 : i32
    "tpu.region"() ({
      %run_scoped3A_208 = tpu.sem_alloc : memref<!tpu.dma_semaphore, #tpu.memory_space<semaphore_mem>>
      %dma_start3A_209 = arith.constant 0 : i32
      %dma_start3A_210 = arith.constant 0 : i32
      %dma_start3A_211 = tpu.memref_slice %arg11[%run_scoped3A_207, %dma_start3A_209, %dma_start3A_210] : memref<2x128x128xi32, #tpu.memory_space<vmem>> -> memref<1x128x128xi32, #tpu.memory_space<vmem>>
      %dma_start3A_212 = tpu.memref_squeeze %dma_start3A_211 : memref<1x128x128xi32, #tpu.memory_space<vmem>> -> memref<128x128xi32, #tpu.memory_space<vmem>>
      %dma_start3A_213 = arith.constant 0 : i32
      %dma_start3A_214 = tpu.memref_slice %arg7[%add3A_205, %dma_start3A_213] : memref<16384x128xi32, #tpu.memory_space<hbm>> -> memref<128x128xi32, #tpu.memory_space<hbm>>
      %dma_start3A_215 = arith.constant 0 : i32
      %dma_start3A_216 = tpu.memref_slice %arg7[%add3A_205, %dma_start3A_215] : memref<16384x128xi32, #tpu.memory_space<hbm>> -> memref<128x128xi32, #tpu.memory_space<hbm>>
      %dma_start3A_217 = arith.constant 0 : i32
      %dma_start3A_218 = arith.constant 0 : i32
      %dma_start3A_219 = tpu.memref_slice %arg11[%run_scoped3A_207, %dma_start3A_217, %dma_start3A_218] : memref<2x128x128xi32, #tpu.memory_space<vmem>> -> memref<1x128x128xi32, #tpu.memory_space<vmem>>
      %dma_start3A_220 = tpu.memref_squeeze %dma_start3A_219 : memref<1x128x128xi32, #tpu.memory_space<vmem>> -> memref<128x128xi32, #tpu.memory_space<vmem>>
      tpu.enqueue_dma source(%dma_start3A_220 : memref<128x128xi32, #tpu.memory_space<vmem>>) target(%dma_start3A_216 : memref<128x128xi32, #tpu.memory_space<hbm>>) target_semaphore(%run_scoped3A_208 : memref<!tpu.dma_semaphore, #tpu.memory_space<semaphore_mem>>)
      %dma_wait3A_221 = arith.constant 0 : i32
      %dma_wait3A_222 = arith.constant 0 : i32
      %dma_wait3A_223 = tpu.memref_slice %arg11[%run_scoped3A_207, %dma_wait3A_221, %dma_wait3A_222] : memref<2x128x128xi32, #tpu.memory_space<vmem>> -> memref<1x128x128xi32, #tpu.memory_space<vmem>>
      %dma_wait3A_224 = tpu.memref_squeeze %dma_wait3A_223 : memref<1x128x128xi32, #tpu.memory_space<vmem>> -> memref<128x128xi32, #tpu.memory_space<vmem>>
      %dma_wait3A_225 = arith.constant 0 : i32
      %dma_wait3A_226 = tpu.memref_slice %arg7[%add3A_205, %dma_wait3A_225] : memref<16384x128xi32, #tpu.memory_space<hbm>> -> memref<128x128xi32, #tpu.memory_space<hbm>>
      %dma_wait3A_227 = arith.constant 0 : i32
      %dma_wait3A_228 = tpu.memref_slice %arg7[%add3A_205, %dma_wait3A_227] : memref<16384x128xi32, #tpu.memory_space<hbm>> -> memref<128x128xi32, #tpu.memory_space<hbm>>
      %dma_wait3A_229 = arith.constant 0 : i32
      %dma_wait3A_230 = arith.constant 0 : i32
      %dma_wait3A_231 = tpu.memref_slice %arg11[%run_scoped3A_207, %dma_wait3A_229, %dma_wait3A_230] : memref<2x128x128xi32, #tpu.memory_space<vmem>> -> memref<1x128x128xi32, #tpu.memory_space<vmem>>
      %dma_wait3A_232 = tpu.memref_squeeze %dma_wait3A_231 : memref<1x128x128xi32, #tpu.memory_space<vmem>> -> memref<128x128xi32, #tpu.memory_space<vmem>>
      tpu.wait_dma2 semaphore(%run_scoped3A_208 : memref<!tpu.dma_semaphore, #tpu.memory_space<semaphore_mem>>) src(%dma_wait3A_232 : memref<128x128xi32, #tpu.memory_space<vmem>>) dst(%dma_wait3A_228 : memref<128x128xi32, #tpu.memory_space<hbm>>)
      tpu.yield
    }) : () -> ()
    return
  }
}

module attributes {stable_mosaic.version = 14 : i64} {
  func.func @body(%arg0: i32, %arg1: memref<64x1000000xf32, #tpu.memory_space<any>>, %arg2: memref<256000x128xi32, #tpu.memory_space<any>>) attributes {dimension_semantics = [#tpu.dimension_semantics<parallel>], iteration_bounds = array<i64: 2>, scalar_prefetch = 0 : i64, scratch_operands = 0 : i64, tpu.core_type = #tpu.core_type<tc>, window_params = [{}, {}]} {
    %mul3A = arith.constant 20 : i32
    %mul3A_0 = arith.muli %arg0, %mul3A : i32
    "tpu.region"() ({
      %run_scoped3A = memref.alloca() : memref<2x64x12800xf32, #tpu.memory_space<vmem>>
      %run_scoped3A_1 = tpu.sem_alloc : memref<2x!tpu.dma_semaphore, #tpu.memory_space<semaphore_mem>>
      %run_scoped3A_2 = memref.alloca() : memref<2x64x12800xf32, #tpu.memory_space<vmem>>
      %run_scoped3A_3 = tpu.sem_alloc : memref<2x!tpu.dma_semaphore, #tpu.memory_space<semaphore_mem>>
      %run_scoped3A_4 = memref.alloca() : memref<2x6400x128xi32, #tpu.memory_space<vmem>>
      %run_scoped3A_5 = tpu.sem_alloc : memref<2x!tpu.dma_semaphore, #tpu.memory_space<semaphore_mem>>
      %select_n3A = arith.constant true
      %select_n3A_6 = arith.constant 0 : i32
      %select_n3A_7 = arith.constant -1 : i32
      %select_n3A_8 = arith.select %select_n3A, %select_n3A_7, %select_n3A_6 : i32
      %eq3A = arith.constant -1 : i32
      %eq3A_9 = arith.cmpi eq, %select_n3A_8, %eq3A : i32
      %select_n3A_10 = arith.constant 19 : i32
      %select_n3A_11 = arith.select %eq3A_9, %select_n3A_10, %select_n3A_8 : i32
      %add3A = arith.constant 0 : i32
      %add3A_12 = arith.addi %select_n3A_11, %add3A : i32
      %select_n3A_13 = arith.constant true
      %select_n3A_14 = arith.constant 0 : i32
      %select_n3A_15 = arith.constant 1 : i32
      %select_n3A_16 = arith.select %select_n3A_13, %select_n3A_15, %select_n3A_14 : i32
      %eq3A_17 = arith.constant 20 : i32
      %eq3A_18 = arith.cmpi eq, %select_n3A_16, %eq3A_17 : i32
      %select_n3A_19 = arith.constant 0 : i32
      %select_n3A_20 = arith.select %eq3A_18, %select_n3A_19, %select_n3A_16 : i32
      %add3A_21 = arith.constant 0 : i32
      %add3A_22 = arith.addi %select_n3A_20, %add3A_21 : i32
      %add3A_23 = arith.constant 1 : i32
      %add3A_24 = arith.addi %select_n3A_20, %add3A_23 : i32
      %select_n3A_25 = arith.constant true
      %select_n3A_26 = arith.select %select_n3A_25, %add3A_24, %select_n3A_20 : i32
      %eq3A_27 = arith.constant 20 : i32
      %eq3A_28 = arith.cmpi eq, %select_n3A_26, %eq3A_27 : i32
      %select_n3A_29 = arith.constant 0 : i32
      %select_n3A_30 = arith.select %eq3A_28, %select_n3A_29, %select_n3A_26 : i32
      %add3A_31 = arith.constant 0 : i32
      %add3A_32 = arith.addi %select_n3A_30, %add3A_31 : i32
      "tpu.trace_start"() <{level = 10 : i32, message = "ep_initialize_0"}> : () -> ()
      %rem3A = arith.constant 0 : i32
      %rem3A_33 = arith.constant 2 : i32
      %rem3A_34 = arith.remui %rem3A, %rem3A_33 : i32
      %add3A_35 = arith.constant 0 : i32
      %add3A_36 = arith.addi %add3A_35, %mul3A_0 : i32
      %mul3A_37 = arith.constant 12800 : i32
      %mul3A_38 = arith.muli %mul3A_37, %add3A_36 : i32
      %eq3A_39 = arith.constant 78 : i32
      %eq3A_40 = arith.cmpi eq, %add3A_36, %eq3A_39 : i32
      %jit3A = arith.constant 1664 : i32
      %jit3A_41 = arith.constant 12800 : i32
      %select_n3A_42 = arith.select %eq3A_40, %jit3A, %jit3A_41 : i32
      %multiple_of3A = tpu.assume_multiple %select_n3A_42, 128 : i32
      %mul3A_43 = arith.constant 12800 : i32
      %mul3A_44 = arith.muli %add3A_36, %mul3A_43 : i32
      %dma_start3A = tpu.memref_slice %run_scoped3A_1[%rem3A_34] : memref<2x!tpu.dma_semaphore, #tpu.memory_space<semaphore_mem>> -> memref<1x!tpu.dma_semaphore, #tpu.memory_space<semaphore_mem>>
      %dma_start3A_45 = tpu.memref_squeeze %dma_start3A : memref<1x!tpu.dma_semaphore, #tpu.memory_space<semaphore_mem>> -> memref<!tpu.dma_semaphore, #tpu.memory_space<semaphore_mem>>
      %dma_start3A_46 = arith.constant 0 : i32
      %dma_start3A_47 = arith.constant 0 : i32
      %dma_start3A_48 = tpu.memref_slice %run_scoped3A[%rem3A_34, %dma_start3A_46, %dma_start3A_47] <%multiple_of3A> : memref<2x64x12800xf32, #tpu.memory_space<vmem>> -> memref<1x64x?xf32, #tpu.memory_space<vmem>>
      %dma_start3A_49 = tpu.memref_squeeze %dma_start3A_48 : memref<1x64x?xf32, #tpu.memory_space<vmem>> -> memref<64x?xf32, #tpu.memory_space<vmem>>
      %dma_start3A_50 = arith.constant 0 : i32
      %dma_start3A_51 = tpu.memref_slice %arg1[%dma_start3A_50, %mul3A_44] <%multiple_of3A> : memref<64x1000000xf32, #tpu.memory_space<any>> -> memref<64x?xf32, #tpu.memory_space<any>>
      tpu.enqueue_dma source(%dma_start3A_51 : memref<64x?xf32, #tpu.memory_space<any>>) target(%dma_start3A_49 : memref<64x?xf32, #tpu.memory_space<vmem>>) target_semaphore(%dma_start3A_45 : memref<!tpu.dma_semaphore, #tpu.memory_space<semaphore_mem>>)
      %add3A_52 = arith.constant 0 : i32
      %add3A_53 = arith.constant 1 : i32
      %add3A_54 = arith.addi %add3A_52, %add3A_53 : i32
      %select_n3A_55 = arith.constant true
      %select_n3A_56 = arith.constant 0 : i32
      %select_n3A_57 = arith.select %select_n3A_55, %add3A_54, %select_n3A_56 : i32
      %rem3A_58 = arith.constant 0 : i32
      %rem3A_59 = arith.constant 2 : i32
      %rem3A_60 = arith.remui %rem3A_58, %rem3A_59 : i32
      %add3A_61 = arith.constant 0 : i32
      %add3A_62 = arith.addi %add3A_61, %mul3A_0 : i32
      %add3A_63 = arith.constant 40 : i32
      %add3A_64 = arith.addi %add3A_62, %add3A_63 : i32
      %min3A = arith.constant 78 : i32
      %min3A_65 = arith.minsi %add3A_64, %min3A : i32
      %mul3A_66 = arith.constant 12800 : i32
      %mul3A_67 = arith.muli %mul3A_66, %min3A_65 : i32
      %eq3A_68 = arith.constant 78 : i32
      %eq3A_69 = arith.cmpi eq, %min3A_65, %eq3A_68 : i32
      %jit3A_70 = arith.constant 1664 : i32
      %jit3A_71 = arith.constant 12800 : i32
      %select_n3A_72 = arith.select %eq3A_69, %jit3A_70, %jit3A_71 : i32
      %multiple_of3A_73 = tpu.assume_multiple %select_n3A_72, 128 : i32
      %mul3A_74 = arith.constant 12800 : i32
      %mul3A_75 = arith.muli %min3A_65, %mul3A_74 : i32
      %dma_start3A_76 = tpu.memref_slice %run_scoped3A_3[%rem3A_60] : memref<2x!tpu.dma_semaphore, #tpu.memory_space<semaphore_mem>> -> memref<1x!tpu.dma_semaphore, #tpu.memory_space<semaphore_mem>>
      %dma_start3A_77 = tpu.memref_squeeze %dma_start3A_76 : memref<1x!tpu.dma_semaphore, #tpu.memory_space<semaphore_mem>> -> memref<!tpu.dma_semaphore, #tpu.memory_space<semaphore_mem>>
      %dma_start3A_78 = arith.constant 0 : i32
      %dma_start3A_79 = arith.constant 0 : i32
      %dma_start3A_80 = tpu.memref_slice %run_scoped3A_2[%rem3A_60, %dma_start3A_78, %dma_start3A_79] <%multiple_of3A_73> : memref<2x64x12800xf32, #tpu.memory_space<vmem>> -> memref<1x64x?xf32, #tpu.memory_space<vmem>>
      %dma_start3A_81 = tpu.memref_squeeze %dma_start3A_80 : memref<1x64x?xf32, #tpu.memory_space<vmem>> -> memref<64x?xf32, #tpu.memory_space<vmem>>
      %dma_start3A_82 = arith.constant 0 : i32
      %dma_start3A_83 = tpu.memref_slice %arg1[%dma_start3A_82, %mul3A_75] <%multiple_of3A_73> : memref<64x1000000xf32, #tpu.memory_space<any>> -> memref<64x?xf32, #tpu.memory_space<any>>
      tpu.enqueue_dma source(%dma_start3A_83 : memref<64x?xf32, #tpu.memory_space<any>>) target(%dma_start3A_81 : memref<64x?xf32, #tpu.memory_space<vmem>>) target_semaphore(%dma_start3A_77 : memref<!tpu.dma_semaphore, #tpu.memory_space<semaphore_mem>>)
      %add3A_84 = arith.constant 0 : i32
      %add3A_85 = arith.constant 1 : i32
      %add3A_86 = arith.addi %add3A_84, %add3A_85 : i32
      %select_n3A_87 = arith.constant true
      %select_n3A_88 = arith.constant 0 : i32
      %select_n3A_89 = arith.select %select_n3A_87, %add3A_86, %select_n3A_88 : i32
      "tpu.trace_stop"() : () -> ()
      %scan3A = arith.constant 0 : i32
      %scan3A_90 = arith.constant 0 : i32
      %scan3A_91 = arith.constant 0 : i32
      %scan3A_92 = arith.constant 0 : i32
      %scan3A_93 = arith.constant 0 : i32
      %scan3A_94 = arith.constant 0 : i32
      %scan3A_95 = arith.constant 20 : i32
      %scan3A_96 = arith.addi %scan3A_94, %scan3A_95 : i32
      %scan3A_97 = arith.constant 1 : i32
      %scan3A_98:7 = scf.for %scan3A_151 = %scan3A_94 to %scan3A_96 step %scan3A_97 iter_args(%scan3A_152 = %select_n3A_57, %scan3A_153 = %scan3A, %scan3A_154 = %select_n3A_89, %scan3A_155 = %scan3A_90, %scan3A_156 = %scan3A_91, %scan3A_157 = %scan3A_92, %scan3A_158 = %scan3A_93) -> (i32, i32, i32, i32, i32, i32, i32)  : i32 {
        %eq3A_159 = arith.constant 0 : i32
        %eq3A_160 = arith.cmpi eq, %scan3A_151, %eq3A_159 : i32
        %eq3A_161 = arith.constant 19 : i32
        %eq3A_162 = arith.cmpi eq, %scan3A_151, %eq3A_161 : i32
        %add3A_163 = arith.constant 0 : i32
        %add3A_164 = arith.addi %scan3A_158, %add3A_163 : i32
        %sub3A_165 = arith.constant 1 : i32
        %sub3A_166 = arith.subi %scan3A_158, %sub3A_165 : i32
        %select_n3A_167 = arith.constant true
        %select_n3A_168 = arith.select %select_n3A_167, %sub3A_166, %scan3A_158 : i32
        %eq3A_169 = arith.constant -1 : i32
        %eq3A_170 = arith.cmpi eq, %select_n3A_168, %eq3A_169 : i32
        %select_n3A_171 = arith.constant 19 : i32
        %select_n3A_172 = arith.select %eq3A_170, %select_n3A_171, %select_n3A_168 : i32
        %add3A_173 = arith.constant 0 : i32
        %add3A_174 = arith.addi %select_n3A_172, %add3A_173 : i32
        %add3A_175 = arith.constant 1 : i32
        %add3A_176 = arith.addi %scan3A_158, %add3A_175 : i32
        %select_n3A_177 = arith.constant true
        %select_n3A_178 = arith.select %select_n3A_177, %add3A_176, %scan3A_158 : i32
        %eq3A_179 = arith.constant 20 : i32
        %eq3A_180 = arith.cmpi eq, %select_n3A_178, %eq3A_179 : i32
        %select_n3A_181 = arith.constant 0 : i32
        %select_n3A_182 = arith.select %eq3A_180, %select_n3A_181, %select_n3A_178 : i32
        %add3A_183 = arith.constant 0 : i32
        %add3A_184 = arith.addi %select_n3A_182, %add3A_183 : i32
        %add3A_185 = arith.constant 1 : i32
        %add3A_186 = arith.addi %select_n3A_182, %add3A_185 : i32
        %select_n3A_187 = arith.constant true
        %select_n3A_188 = arith.select %select_n3A_187, %add3A_186, %select_n3A_182 : i32
        %eq3A_189 = arith.constant 20 : i32
        %eq3A_190 = arith.cmpi eq, %select_n3A_188, %eq3A_189 : i32
        %select_n3A_191 = arith.constant 0 : i32
        %select_n3A_192 = arith.select %eq3A_190, %select_n3A_191, %select_n3A_188 : i32
        %add3A_193 = arith.constant 0 : i32
        %add3A_194 = arith.addi %select_n3A_192, %add3A_193 : i32
        %add3A_195 = arith.addi %add3A_164, %mul3A_0 : i32
        %add3A_196 = arith.addi %add3A_184, %mul3A_0 : i32
        %ne3A = arith.cmpi ne, %add3A_195, %add3A_196 : i32
        %or3A = arith.constant false
        %or3A_197 = arith.ori %or3A, %ne3A : i1
        %ge3A = arith.constant 19 : i32
        %ge3A_198 = arith.cmpi sge, %scan3A_151, %ge3A : i32
        %not3A = arith.constant true
        %not3A_199 = arith.xori %ge3A_198, %not3A : i1
        %and3A = arith.andi %or3A_197, %not3A_199 : i1
        %convert_element_type3A = arith.extui %and3A : i1 to i32
        %cond3A = arith.constant 0 : i32
        %cond3A_200 = arith.cmpi ne, %convert_element_type3A, %cond3A : i32
        scf.if %cond3A_200 {
          "tpu.trace_start"() <{level = 10 : i32, message = "ep_copy_in"}> : () -> ()
          %rem3A_439 = arith.constant 2 : i32
          %rem3A_440 = arith.remui %scan3A_152, %rem3A_439 : i32
          %add3A_441 = arith.addi %add3A_184, %mul3A_0 : i32
          %mul3A_442 = arith.constant 12800 : i32
          %mul3A_443 = arith.muli %mul3A_442, %add3A_441 : i32
          %eq3A_444 = arith.constant 78 : i32
          %eq3A_445 = arith.cmpi eq, %add3A_441, %eq3A_444 : i32
          %jit3A_446 = arith.constant 1664 : i32
          %jit3A_447 = arith.constant 12800 : i32
          %select_n3A_448 = arith.select %eq3A_445, %jit3A_446, %jit3A_447 : i32
          %multiple_of3A_449 = tpu.assume_multiple %select_n3A_448, 128 : i32
          %mul3A_450 = arith.constant 12800 : i32
          %mul3A_451 = arith.muli %add3A_441, %mul3A_450 : i32
          %dma_start3A_452 = tpu.memref_slice %run_scoped3A_1[%rem3A_440] : memref<2x!tpu.dma_semaphore, #tpu.memory_space<semaphore_mem>> -> memref<1x!tpu.dma_semaphore, #tpu.memory_space<semaphore_mem>>
          %dma_start3A_453 = tpu.memref_squeeze %dma_start3A_452 : memref<1x!tpu.dma_semaphore, #tpu.memory_space<semaphore_mem>> -> memref<!tpu.dma_semaphore, #tpu.memory_space<semaphore_mem>>
          %dma_start3A_454 = arith.constant 0 : i32
          %dma_start3A_455 = arith.constant 0 : i32
          %dma_start3A_456 = tpu.memref_slice %run_scoped3A[%rem3A_440, %dma_start3A_454, %dma_start3A_455] <%multiple_of3A_449> : memref<2x64x12800xf32, #tpu.memory_space<vmem>> -> memref<1x64x?xf32, #tpu.memory_space<vmem>>
          %dma_start3A_457 = tpu.memref_squeeze %dma_start3A_456 : memref<1x64x?xf32, #tpu.memory_space<vmem>> -> memref<64x?xf32, #tpu.memory_space<vmem>>
          %dma_start3A_458 = arith.constant 0 : i32
          %dma_start3A_459 = tpu.memref_slice %arg1[%dma_start3A_458, %mul3A_451] <%multiple_of3A_449> : memref<64x1000000xf32, #tpu.memory_space<any>> -> memref<64x?xf32, #tpu.memory_space<any>>
          tpu.enqueue_dma source(%dma_start3A_459 : memref<64x?xf32, #tpu.memory_space<any>>) target(%dma_start3A_457 : memref<64x?xf32, #tpu.memory_space<vmem>>) target_semaphore(%dma_start3A_453 : memref<!tpu.dma_semaphore, #tpu.memory_space<semaphore_mem>>)
          "tpu.trace_stop"() : () -> ()
        } else {
        }
        %and3A_201 = arith.constant true
        %and3A_202 = arith.andi %and3A, %and3A_201 : i1
        %add3A_203 = arith.constant 1 : i32
        %add3A_204 = arith.addi %scan3A_152, %add3A_203 : i32
        %select_n3A_205 = arith.select %and3A_202, %add3A_204, %scan3A_152 : i32
        %add3A_206 = arith.addi %add3A_164, %mul3A_0 : i32
        %add3A_207 = arith.constant 40 : i32
        %add3A_208 = arith.addi %add3A_206, %add3A_207 : i32
        %min3A_209 = arith.constant 78 : i32
        %min3A_210 = arith.minsi %add3A_208, %min3A_209 : i32
        %add3A_211 = arith.addi %add3A_184, %mul3A_0 : i32
        %add3A_212 = arith.constant 40 : i32
        %add3A_213 = arith.addi %add3A_211, %add3A_212 : i32
        %min3A_214 = arith.constant 78 : i32
        %min3A_215 = arith.minsi %add3A_213, %min3A_214 : i32
        %ne3A_216 = arith.cmpi ne, %min3A_210, %min3A_215 : i32
        %or3A_217 = arith.constant false
        %or3A_218 = arith.ori %or3A_217, %ne3A_216 : i1
        %ge3A_219 = arith.constant 19 : i32
        %ge3A_220 = arith.cmpi sge, %scan3A_151, %ge3A_219 : i32
        %not3A_221 = arith.constant true
        %not3A_222 = arith.xori %ge3A_220, %not3A_221 : i1
        %and3A_223 = arith.andi %or3A_218, %not3A_222 : i1
        %convert_element_type3A_224 = arith.extui %and3A_223 : i1 to i32
        %cond3A_225 = arith.constant 0 : i32
        %cond3A_226 = arith.cmpi ne, %convert_element_type3A_224, %cond3A_225 : i32
        scf.if %cond3A_226 {
          "tpu.trace_start"() <{level = 10 : i32, message = "ep_copy_in"}> : () -> ()
          %rem3A_439 = arith.constant 2 : i32
          %rem3A_440 = arith.remui %scan3A_154, %rem3A_439 : i32
          %add3A_441 = arith.addi %add3A_184, %mul3A_0 : i32
          %add3A_442 = arith.constant 40 : i32
          %add3A_443 = arith.addi %add3A_441, %add3A_442 : i32
          %min3A_444 = arith.constant 78 : i32
          %min3A_445 = arith.minsi %add3A_443, %min3A_444 : i32
          %mul3A_446 = arith.constant 12800 : i32
          %mul3A_447 = arith.muli %mul3A_446, %min3A_445 : i32
          %eq3A_448 = arith.constant 78 : i32
          %eq3A_449 = arith.cmpi eq, %min3A_445, %eq3A_448 : i32
          %jit3A_450 = arith.constant 1664 : i32
          %jit3A_451 = arith.constant 12800 : i32
          %select_n3A_452 = arith.select %eq3A_449, %jit3A_450, %jit3A_451 : i32
          %multiple_of3A_453 = tpu.assume_multiple %select_n3A_452, 128 : i32
          %mul3A_454 = arith.constant 12800 : i32
          %mul3A_455 = arith.muli %min3A_445, %mul3A_454 : i32
          %dma_start3A_456 = tpu.memref_slice %run_scoped3A_3[%rem3A_440] : memref<2x!tpu.dma_semaphore, #tpu.memory_space<semaphore_mem>> -> memref<1x!tpu.dma_semaphore, #tpu.memory_space<semaphore_mem>>
          %dma_start3A_457 = tpu.memref_squeeze %dma_start3A_456 : memref<1x!tpu.dma_semaphore, #tpu.memory_space<semaphore_mem>> -> memref<!tpu.dma_semaphore, #tpu.memory_space<semaphore_mem>>
          %dma_start3A_458 = arith.constant 0 : i32
          %dma_start3A_459 = arith.constant 0 : i32
          %dma_start3A_460 = tpu.memref_slice %run_scoped3A_2[%rem3A_440, %dma_start3A_458, %dma_start3A_459] <%multiple_of3A_453> : memref<2x64x12800xf32, #tpu.memory_space<vmem>> -> memref<1x64x?xf32, #tpu.memory_space<vmem>>
          %dma_start3A_461 = tpu.memref_squeeze %dma_start3A_460 : memref<1x64x?xf32, #tpu.memory_space<vmem>> -> memref<64x?xf32, #tpu.memory_space<vmem>>
          %dma_start3A_462 = arith.constant 0 : i32
          %dma_start3A_463 = tpu.memref_slice %arg1[%dma_start3A_462, %mul3A_455] <%multiple_of3A_453> : memref<64x1000000xf32, #tpu.memory_space<any>> -> memref<64x?xf32, #tpu.memory_space<any>>
          tpu.enqueue_dma source(%dma_start3A_463 : memref<64x?xf32, #tpu.memory_space<any>>) target(%dma_start3A_461 : memref<64x?xf32, #tpu.memory_space<vmem>>) target_semaphore(%dma_start3A_457 : memref<!tpu.dma_semaphore, #tpu.memory_space<semaphore_mem>>)
          "tpu.trace_stop"() : () -> ()
        } else {
        }
        %and3A_227 = arith.constant true
        %and3A_228 = arith.andi %and3A_223, %and3A_227 : i1
        %add3A_229 = arith.constant 1 : i32
        %add3A_230 = arith.addi %scan3A_154, %add3A_229 : i32
        %select_n3A_231 = arith.select %and3A_228, %add3A_230, %scan3A_154 : i32
        %add3A_232 = arith.addi %add3A_164, %mul3A_0 : i32
        %add3A_233 = arith.addi %add3A_184, %mul3A_0 : i32
        %ne3A_234 = arith.cmpi ne, %add3A_232, %add3A_233 : i32
        %or3A_235 = arith.constant false
        %or3A_236 = arith.ori %or3A_235, %ne3A_234 : i1
        %or3A_237 = arith.constant false
        %or3A_238 = arith.ori %or3A_236, %or3A_237 : i1
        %ge3A_239 = arith.constant 19 : i32
        %ge3A_240 = arith.cmpi sge, %scan3A_151, %ge3A_239 : i32
        %not3A_241 = arith.constant true
        %not3A_242 = arith.xori %ge3A_240, %not3A_241 : i1
        %and3A_243 = arith.andi %or3A_238, %not3A_242 : i1
        %add3A_244 = arith.addi %add3A_164, %mul3A_0 : i32
        %add3A_245 = arith.addi %add3A_174, %mul3A_0 : i32
        %ne3A_246 = arith.cmpi ne, %add3A_244, %add3A_245 : i32
        %or3A_247 = arith.constant false
        %or3A_248 = arith.ori %or3A_247, %ne3A_246 : i1
        %or3A_249 = arith.ori %or3A_248, %eq3A_160 : i1
        %convert_element_type3A_250 = arith.extui %or3A_249 : i1 to i32
        %cond3A_251 = arith.constant 0 : i32
        %cond3A_252 = arith.cmpi ne, %convert_element_type3A_250, %cond3A_251 : i32
        scf.if %cond3A_252 {
          "tpu.trace_start"() <{level = 10 : i32, message = "ep_wait_in"}> : () -> ()
          %add3A_439 = arith.addi %add3A_164, %mul3A_0 : i32
          %mul3A_440 = arith.constant 12800 : i32
          %mul3A_441 = arith.muli %mul3A_440, %add3A_439 : i32
          %eq3A_442 = arith.constant 78 : i32
          %eq3A_443 = arith.cmpi eq, %add3A_439, %eq3A_442 : i32
          %jit3A_444 = arith.constant 1664 : i32
          %jit3A_445 = arith.constant 12800 : i32
          %select_n3A_446 = arith.select %eq3A_443, %jit3A_444, %jit3A_445 : i32
          %multiple_of3A_447 = tpu.assume_multiple %select_n3A_446, 128 : i32
          %mul3A_448 = arith.constant 12800 : i32
          %mul3A_449 = arith.muli %add3A_439, %mul3A_448 : i32
          %rem3A_450 = arith.constant 2 : i32
          %rem3A_451 = arith.remui %scan3A_153, %rem3A_450 : i32
          %dma_wait3A_452 = tpu.memref_slice %run_scoped3A_1[%rem3A_451] : memref<2x!tpu.dma_semaphore, #tpu.memory_space<semaphore_mem>> -> memref<1x!tpu.dma_semaphore, #tpu.memory_space<semaphore_mem>>
          %dma_wait3A_453 = tpu.memref_squeeze %dma_wait3A_452 : memref<1x!tpu.dma_semaphore, #tpu.memory_space<semaphore_mem>> -> memref<!tpu.dma_semaphore, #tpu.memory_space<semaphore_mem>>
          %dma_wait3A_454 = arith.constant 0 : i32
          %dma_wait3A_455 = arith.constant 0 : i32
          %dma_wait3A_456 = tpu.memref_slice %run_scoped3A[%rem3A_451, %dma_wait3A_454, %dma_wait3A_455] <%multiple_of3A_447> : memref<2x64x12800xf32, #tpu.memory_space<vmem>> -> memref<1x64x?xf32, #tpu.memory_space<vmem>>
          %dma_wait3A_457 = tpu.memref_squeeze %dma_wait3A_456 : memref<1x64x?xf32, #tpu.memory_space<vmem>> -> memref<64x?xf32, #tpu.memory_space<vmem>>
          %dma_wait3A_458 = arith.constant 0 : i32
          %dma_wait3A_459 = tpu.memref_slice %arg1[%dma_wait3A_458, %mul3A_449] <%multiple_of3A_447> : memref<64x1000000xf32, #tpu.memory_space<any>> -> memref<64x?xf32, #tpu.memory_space<any>>
          tpu.wait_dma2 semaphore(%dma_wait3A_453 : memref<!tpu.dma_semaphore, #tpu.memory_space<semaphore_mem>>) src(%dma_wait3A_459 : memref<64x?xf32, #tpu.memory_space<any>>) dst(%dma_wait3A_457 : memref<64x?xf32, #tpu.memory_space<vmem>>)
          "tpu.trace_stop"() : () -> ()
        } else {
        }
        %add3A_253 = arith.addi %add3A_164, %mul3A_0 : i32
        %add3A_254 = arith.constant 40 : i32
        %add3A_255 = arith.addi %add3A_253, %add3A_254 : i32
        %min3A_256 = arith.constant 78 : i32
        %min3A_257 = arith.minsi %add3A_255, %min3A_256 : i32
        %add3A_258 = arith.addi %add3A_174, %mul3A_0 : i32
        %add3A_259 = arith.constant 40 : i32
        %add3A_260 = arith.addi %add3A_258, %add3A_259 : i32
        %min3A_261 = arith.constant 78 : i32
        %min3A_262 = arith.minsi %add3A_260, %min3A_261 : i32
        %ne3A_263 = arith.cmpi ne, %min3A_257, %min3A_262 : i32
        %or3A_264 = arith.constant false
        %or3A_265 = arith.ori %or3A_264, %ne3A_263 : i1
        %or3A_266 = arith.ori %or3A_265, %eq3A_160 : i1
        %convert_element_type3A_267 = arith.extui %or3A_266 : i1 to i32
        %cond3A_268 = arith.constant 0 : i32
        %cond3A_269 = arith.cmpi ne, %convert_element_type3A_267, %cond3A_268 : i32
        scf.if %cond3A_269 {
          "tpu.trace_start"() <{level = 10 : i32, message = "ep_wait_in"}> : () -> ()
          %add3A_439 = arith.addi %add3A_164, %mul3A_0 : i32
          %add3A_440 = arith.constant 40 : i32
          %add3A_441 = arith.addi %add3A_439, %add3A_440 : i32
          %min3A_442 = arith.constant 78 : i32
          %min3A_443 = arith.minsi %add3A_441, %min3A_442 : i32
          %mul3A_444 = arith.constant 12800 : i32
          %mul3A_445 = arith.muli %mul3A_444, %min3A_443 : i32
          %eq3A_446 = arith.constant 78 : i32
          %eq3A_447 = arith.cmpi eq, %min3A_443, %eq3A_446 : i32
          %jit3A_448 = arith.constant 1664 : i32
          %jit3A_449 = arith.constant 12800 : i32
          %select_n3A_450 = arith.select %eq3A_447, %jit3A_448, %jit3A_449 : i32
          %multiple_of3A_451 = tpu.assume_multiple %select_n3A_450, 128 : i32
          %mul3A_452 = arith.constant 12800 : i32
          %mul3A_453 = arith.muli %min3A_443, %mul3A_452 : i32
          %rem3A_454 = arith.constant 2 : i32
          %rem3A_455 = arith.remui %scan3A_155, %rem3A_454 : i32
          %dma_wait3A_456 = tpu.memref_slice %run_scoped3A_3[%rem3A_455] : memref<2x!tpu.dma_semaphore, #tpu.memory_space<semaphore_mem>> -> memref<1x!tpu.dma_semaphore, #tpu.memory_space<semaphore_mem>>
          %dma_wait3A_457 = tpu.memref_squeeze %dma_wait3A_456 : memref<1x!tpu.dma_semaphore, #tpu.memory_space<semaphore_mem>> -> memref<!tpu.dma_semaphore, #tpu.memory_space<semaphore_mem>>
          %dma_wait3A_458 = arith.constant 0 : i32
          %dma_wait3A_459 = arith.constant 0 : i32
          %dma_wait3A_460 = tpu.memref_slice %run_scoped3A_2[%rem3A_455, %dma_wait3A_458, %dma_wait3A_459] <%multiple_of3A_451> : memref<2x64x12800xf32, #tpu.memory_space<vmem>> -> memref<1x64x?xf32, #tpu.memory_space<vmem>>
          %dma_wait3A_461 = tpu.memref_squeeze %dma_wait3A_460 : memref<1x64x?xf32, #tpu.memory_space<vmem>> -> memref<64x?xf32, #tpu.memory_space<vmem>>
          %dma_wait3A_462 = arith.constant 0 : i32
          %dma_wait3A_463 = tpu.memref_slice %arg1[%dma_wait3A_462, %mul3A_453] <%multiple_of3A_451> : memref<64x1000000xf32, #tpu.memory_space<any>> -> memref<64x?xf32, #tpu.memory_space<any>>
          tpu.wait_dma2 semaphore(%dma_wait3A_457 : memref<!tpu.dma_semaphore, #tpu.memory_space<semaphore_mem>>) src(%dma_wait3A_463 : memref<64x?xf32, #tpu.memory_space<any>>) dst(%dma_wait3A_461 : memref<64x?xf32, #tpu.memory_space<vmem>>)
          "tpu.trace_stop"() : () -> ()
        } else {
        }
        %add3A_270 = arith.addi %add3A_164, %mul3A_0 : i32
        %add3A_271 = arith.addi %add3A_174, %mul3A_0 : i32
        %ne3A_272 = arith.cmpi ne, %add3A_270, %add3A_271 : i32
        %or3A_273 = arith.constant false
        %or3A_274 = arith.ori %or3A_273, %ne3A_272 : i1
        %or3A_275 = arith.constant false
        %or3A_276 = arith.ori %or3A_274, %or3A_275 : i1
        %or3A_277 = arith.ori %or3A_276, %eq3A_160 : i1
        %convert_element_type3A_278 = arith.extui %or3A_277 : i1 to i32
        %cond3A_279 = arith.constant 0 : i32
        %cond3A_280 = arith.cmpi ne, %convert_element_type3A_278, %cond3A_279 : i32
        scf.if %cond3A_280 {
        } else {
        }
        %rem3A_281 = arith.constant 2 : i32
        %rem3A_282 = arith.remui %scan3A_153, %rem3A_281 : i32
        %rem3A_283 = arith.constant 2 : i32
        %rem3A_284 = arith.remui %scan3A_155, %rem3A_283 : i32
        %rem3A_285 = arith.constant 2 : i32
        %rem3A_286 = arith.remui %scan3A_156, %rem3A_285 : i32
        "tpu.trace_start"() <{level = 10 : i32, message = "ep_run_kernel"}> : () -> ()
        %get3A = arith.index_cast %rem3A_282 : i32 to index
        %get3A_287 = arith.constant 0 : index
        %get3A_288 = arith.constant 0 : index
        %get3A_289 = vector.load %run_scoped3A[%get3A, %get3A_287, %get3A_288] : memref<2x64x12800xf32, #tpu.memory_space<vmem>>, vector<1x64x12800xf32>
        %get3A_290 = vector.shape_cast %get3A_289 : vector<1x64x12800xf32> to vector<64x12800xf32>
        %get3A_291 = arith.index_cast %rem3A_284 : i32 to index
        %get3A_292 = arith.constant 0 : index
        %get3A_293 = arith.constant 0 : index
        %get3A_294 = vector.load %run_scoped3A_2[%get3A_291, %get3A_292, %get3A_293] : memref<2x64x12800xf32, #tpu.memory_space<vmem>>, vector<1x64x12800xf32>
        %get3A_295 = vector.shape_cast %get3A_294 : vector<1x64x12800xf32> to vector<64x12800xf32>
        %concatenate3A = tpu.concatenate %get3A_290, %get3A_295 in 0 : vector<64x12800xf32>, vector<64x12800xf32> -> vector<128x12800xf32>
        %iota3A = tpu.iota {dimensions = array<i32: 0>} : vector<128x128xi32>
        %iota3A_296 = tpu.iota {dimensions = array<i32: 1>} : vector<128x128xi32>
        %eq3A_297 = arith.cmpi eq, %iota3A, %iota3A_296 : vector<128x128xi32>
        %convert_element_type3A_298 = arith.extui %eq3A_297 : vector<128x128xi1> to vector<128x128xi32>
        %convert_element_type3A_299 = arith.sitofp %convert_element_type3A_298 : vector<128x128xi32> to vector<128x128xf32>
        %dot_general3A = arith.constant dense<0.000000e+00> : vector<12800x128xf32>
        %dot_general3A_300 = tpu.matmul %concatenate3A, %convert_element_type3A_299, %dot_general3A {dimension_numbers = #tpu.dot_dimension_numbers<[0], [0], [1], [1], [0, 1, 1, 1], [], []>, transpose_lhs_hint = false} : vector<128x12800xf32>, vector<128x128xf32>, vector<12800x128xf32> -> vector<12800x128xf32>
        %convert_element_type3A_301 = arith.truncf %dot_general3A_300 : vector<12800x128xf32> to vector<12800x128xbf16>
        %bitcast3A = tpu.bitcast %convert_element_type3A_301 : vector<12800x128xbf16> -> vector<6400x128xi32>
        %swap3A = arith.index_cast %rem3A_286 : i32 to index
        %swap3A_302 = arith.constant 0 : index
        %swap3A_303 = arith.constant 0 : index
        %swap3A_304 = vector.load %run_scoped3A_4[%swap3A, %swap3A_302, %swap3A_303] : memref<2x6400x128xi32, #tpu.memory_space<vmem>>, vector<1x6400x128xi32>
        %swap3A_305 = vector.shape_cast %swap3A_304 : vector<1x6400x128xi32> to vector<6400x128xi32>
        %swap3A_306 = vector.shape_cast %bitcast3A : vector<6400x128xi32> to vector<1x6400x128xi32>
        tpu.vector_store %run_scoped3A_4[%swap3A, %swap3A_302, %swap3A_303], %swap3A_306 {strides = array<i32>} : memref<2x6400x128xi32, #tpu.memory_space<vmem>>, vector<1x6400x128xi32>,
        "tpu.trace_stop"() : () -> ()
        %add3A_307 = arith.addi %add3A_164, %mul3A_0 : i32
        %add3A_308 = arith.addi %add3A_184, %mul3A_0 : i32
        %ne3A_309 = arith.cmpi ne, %add3A_307, %add3A_308 : i32
        %or3A_310 = arith.constant false
        %or3A_311 = arith.ori %or3A_310, %ne3A_309 : i1
        %or3A_312 = arith.ori %or3A_311, %eq3A_162 : i1
        %convert_element_type3A_313 = arith.extui %or3A_312 : i1 to i32
        %cond3A_314 = arith.constant 0 : i32
        %cond3A_315 = arith.cmpi ne, %convert_element_type3A_313, %cond3A_314 : i32
        scf.if %cond3A_315 {
        } else {
        }
        %and3A_316 = arith.constant false
        %and3A_317 = arith.andi %or3A_312, %and3A_316 : i1
        %add3A_318 = arith.addi %add3A_164, %mul3A_0 : i32
        %add3A_319 = arith.constant 40 : i32
        %add3A_320 = arith.addi %add3A_318, %add3A_319 : i32
        %min3A_321 = arith.constant 78 : i32
        %min3A_322 = arith.minsi %add3A_320, %min3A_321 : i32
        %add3A_323 = arith.addi %add3A_184, %mul3A_0 : i32
        %add3A_324 = arith.constant 40 : i32
        %add3A_325 = arith.addi %add3A_323, %add3A_324 : i32
        %min3A_326 = arith.constant 78 : i32
        %min3A_327 = arith.minsi %add3A_325, %min3A_326 : i32
        %ne3A_328 = arith.cmpi ne, %min3A_322, %min3A_327 : i32
        %or3A_329 = arith.constant false
        %or3A_330 = arith.ori %or3A_329, %ne3A_328 : i1
        %or3A_331 = arith.ori %or3A_330, %eq3A_162 : i1
        %convert_element_type3A_332 = arith.extui %or3A_331 : i1 to i32
        %cond3A_333 = arith.constant 0 : i32
        %cond3A_334 = arith.cmpi ne, %convert_element_type3A_332, %cond3A_333 : i32
        scf.if %cond3A_334 {
        } else {
        }
        %and3A_335 = arith.constant false
        %and3A_336 = arith.andi %or3A_331, %and3A_335 : i1
        %add3A_337 = arith.addi %add3A_164, %mul3A_0 : i32
        %add3A_338 = arith.addi %add3A_184, %mul3A_0 : i32
        %ne3A_339 = arith.cmpi ne, %add3A_337, %add3A_338 : i32
        %or3A_340 = arith.constant false
        %or3A_341 = arith.ori %or3A_340, %ne3A_339 : i1
        %or3A_342 = arith.constant false
        %or3A_343 = arith.ori %or3A_341, %or3A_342 : i1
        %or3A_344 = arith.ori %or3A_343, %eq3A_162 : i1
        %convert_element_type3A_345 = arith.extui %or3A_344 : i1 to i32
        %cond3A_346 = arith.constant 0 : i32
        %cond3A_347 = arith.cmpi ne, %convert_element_type3A_345, %cond3A_346 : i32
        scf.if %cond3A_347 {
          "tpu.trace_start"() <{level = 10 : i32, message = "ep_copy_out"}> : () -> ()
          %rem3A_439 = arith.constant 2 : i32
          %rem3A_440 = arith.remui %scan3A_156, %rem3A_439 : i32
          %add3A_441 = arith.addi %add3A_164, %mul3A_0 : i32
          %mul3A_442 = arith.constant 6400 : i32
          %mul3A_443 = arith.muli %mul3A_442, %add3A_441 : i32
          %dma_start3A_444 = tpu.memref_slice %run_scoped3A_5[%rem3A_440] : memref<2x!tpu.dma_semaphore, #tpu.memory_space<semaphore_mem>> -> memref<1x!tpu.dma_semaphore, #tpu.memory_space<semaphore_mem>>
          %dma_start3A_445 = tpu.memref_squeeze %dma_start3A_444 : memref<1x!tpu.dma_semaphore, #tpu.memory_space<semaphore_mem>> -> memref<!tpu.dma_semaphore, #tpu.memory_space<semaphore_mem>>
          %dma_start3A_446 = arith.constant 0 : i32
          %dma_start3A_447 = tpu.memref_slice %arg2[%mul3A_443, %dma_start3A_446] : memref<256000x128xi32, #tpu.memory_space<any>> -> memref<6400x128xi32, #tpu.memory_space<any>>
          %dma_start3A_448 = arith.constant 0 : i32
          %dma_start3A_449 = arith.constant 0 : i32
          %dma_start3A_450 = tpu.memref_slice %run_scoped3A_4[%rem3A_440, %dma_start3A_448, %dma_start3A_449] : memref<2x6400x128xi32, #tpu.memory_space<vmem>> -> memref<1x6400x128xi32, #tpu.memory_space<vmem>>
          %dma_start3A_451 = tpu.memref_squeeze %dma_start3A_450 : memref<1x6400x128xi32, #tpu.memory_space<vmem>> -> memref<6400x128xi32, #tpu.memory_space<vmem>>
          tpu.enqueue_dma source(%dma_start3A_451 : memref<6400x128xi32, #tpu.memory_space<vmem>>) target(%dma_start3A_447 : memref<6400x128xi32, #tpu.memory_space<any>>) target_semaphore(%dma_start3A_445 : memref<!tpu.dma_semaphore, #tpu.memory_space<semaphore_mem>>)
          "tpu.trace_stop"() : () -> ()
        } else {
        }
        %and3A_348 = arith.constant true
        %and3A_349 = arith.andi %or3A_344, %and3A_348 : i1
        %add3A_350 = arith.constant 1 : i32
        %add3A_351 = arith.addi %scan3A_156, %add3A_350 : i32
        %select_n3A_352 = arith.select %and3A_349, %add3A_351, %scan3A_156 : i32
        %add3A_353 = arith.addi %add3A_164, %mul3A_0 : i32
        %add3A_354 = arith.addi %add3A_174, %mul3A_0 : i32
        %ne3A_355 = arith.cmpi ne, %add3A_353, %add3A_354 : i32
        %or3A_356 = arith.constant false
        %or3A_357 = arith.ori %or3A_356, %ne3A_355 : i1
        %not3A_358 = arith.constant true
        %not3A_359 = arith.xori %eq3A_160, %not3A_358 : i1
        %and3A_360 = arith.andi %or3A_357, %not3A_359 : i1
        %convert_element_type3A_361 = arith.extui %and3A_360 : i1 to i32
        %cond3A_362 = arith.constant 0 : i32
        %cond3A_363 = arith.cmpi ne, %convert_element_type3A_361, %cond3A_362 : i32
        scf.if %cond3A_363 {
        } else {
        }
        %and3A_364 = arith.constant false
        %and3A_365 = arith.andi %and3A_360, %and3A_364 : i1
        %add3A_366 = arith.addi %add3A_164, %mul3A_0 : i32
        %add3A_367 = arith.constant 40 : i32
        %add3A_368 = arith.addi %add3A_366, %add3A_367 : i32
        %min3A_369 = arith.constant 78 : i32
        %min3A_370 = arith.minsi %add3A_368, %min3A_369 : i32
        %add3A_371 = arith.addi %add3A_174, %mul3A_0 : i32
        %add3A_372 = arith.constant 40 : i32
        %add3A_373 = arith.addi %add3A_371, %add3A_372 : i32
        %min3A_374 = arith.constant 78 : i32
        %min3A_375 = arith.minsi %add3A_373, %min3A_374 : i32
        %ne3A_376 = arith.cmpi ne, %min3A_370, %min3A_375 : i32
        %or3A_377 = arith.constant false
        %or3A_378 = arith.ori %or3A_377, %ne3A_376 : i1
        %not3A_379 = arith.constant true
        %not3A_380 = arith.xori %eq3A_160, %not3A_379 : i1
        %and3A_381 = arith.andi %or3A_378, %not3A_380 : i1
        %convert_element_type3A_382 = arith.extui %and3A_381 : i1 to i32
        %cond3A_383 = arith.constant 0 : i32
        %cond3A_384 = arith.cmpi ne, %convert_element_type3A_382, %cond3A_383 : i32
        scf.if %cond3A_384 {
        } else {
        }
        %and3A_385 = arith.constant false
        %and3A_386 = arith.andi %and3A_381, %and3A_385 : i1
        %add3A_387 = arith.addi %add3A_164, %mul3A_0 : i32
        %add3A_388 = arith.addi %add3A_174, %mul3A_0 : i32
        %ne3A_389 = arith.cmpi ne, %add3A_387, %add3A_388 : i32
        %or3A_390 = arith.constant false
        %or3A_391 = arith.ori %or3A_390, %ne3A_389 : i1
        %or3A_392 = arith.constant false
        %or3A_393 = arith.ori %or3A_391, %or3A_392 : i1
        %not3A_394 = arith.constant true
        %not3A_395 = arith.xori %eq3A_160, %not3A_394 : i1
        %and3A_396 = arith.andi %or3A_393, %not3A_395 : i1
        %convert_element_type3A_397 = arith.extui %and3A_396 : i1 to i32
        %cond3A_398 = arith.constant 0 : i32
        %cond3A_399 = arith.cmpi ne, %convert_element_type3A_397, %cond3A_398 : i32
        scf.if %cond3A_399 {
          "tpu.trace_start"() <{level = 10 : i32, message = "ep_wait_out"}> : () -> ()
          %rem3A_439 = arith.constant 2 : i32
          %rem3A_440 = arith.remui %scan3A_157, %rem3A_439 : i32
          %add3A_441 = arith.addi %add3A_174, %mul3A_0 : i32
          %mul3A_442 = arith.constant 6400 : i32
          %mul3A_443 = arith.muli %mul3A_442, %add3A_441 : i32
          %dma_wait3A_444 = tpu.memref_slice %run_scoped3A_5[%rem3A_440] : memref<2x!tpu.dma_semaphore, #tpu.memory_space<semaphore_mem>> -> memref<1x!tpu.dma_semaphore, #tpu.memory_space<semaphore_mem>>
          %dma_wait3A_445 = tpu.memref_squeeze %dma_wait3A_444 : memref<1x!tpu.dma_semaphore, #tpu.memory_space<semaphore_mem>> -> memref<!tpu.dma_semaphore, #tpu.memory_space<semaphore_mem>>
          %dma_wait3A_446 = arith.constant 0 : i32
          %dma_wait3A_447 = tpu.memref_slice %arg2[%mul3A_443, %dma_wait3A_446] : memref<256000x128xi32, #tpu.memory_space<any>> -> memref<6400x128xi32, #tpu.memory_space<any>>
          %dma_wait3A_448 = arith.constant 0 : i32
          %dma_wait3A_449 = arith.constant 0 : i32
          %dma_wait3A_450 = tpu.memref_slice %run_scoped3A_4[%rem3A_440, %dma_wait3A_448, %dma_wait3A_449] : memref<2x6400x128xi32, #tpu.memory_space<vmem>> -> memref<1x6400x128xi32, #tpu.memory_space<vmem>>
          %dma_wait3A_451 = tpu.memref_squeeze %dma_wait3A_450 : memref<1x6400x128xi32, #tpu.memory_space<vmem>> -> memref<6400x128xi32, #tpu.memory_space<vmem>>
          tpu.wait_dma2 semaphore(%dma_wait3A_445 : memref<!tpu.dma_semaphore, #tpu.memory_space<semaphore_mem>>) src(%dma_wait3A_451 : memref<6400x128xi32, #tpu.memory_space<vmem>>) dst(%dma_wait3A_447 : memref<6400x128xi32, #tpu.memory_space<any>>)
          "tpu.trace_stop"() : () -> ()
        } else {
        }
        %and3A_400 = arith.constant true
        %and3A_401 = arith.andi %and3A_396, %and3A_400 : i1
        %add3A_402 = arith.constant 1 : i32
        %add3A_403 = arith.addi %scan3A_157, %add3A_402 : i32
        %select_n3A_404 = arith.select %and3A_401, %add3A_403, %scan3A_157 : i32
        %add3A_405 = arith.addi %add3A_164, %mul3A_0 : i32
        %add3A_406 = arith.addi %add3A_184, %mul3A_0 : i32
        %ne3A_407 = arith.cmpi ne, %add3A_405, %add3A_406 : i32
        %or3A_408 = arith.constant false
        %or3A_409 = arith.ori %or3A_408, %ne3A_407 : i1
        %or3A_410 = arith.ori %or3A_409, %eq3A_162 : i1
        %add3A_411 = arith.constant 1 : i32
        %add3A_412 = arith.addi %scan3A_153, %add3A_411 : i32
        %select_n3A_413 = arith.select %or3A_410, %add3A_412, %scan3A_153 : i32
        %add3A_414 = arith.addi %add3A_164, %mul3A_0 : i32
        %add3A_415 = arith.constant 40 : i32
        %add3A_416 = arith.addi %add3A_414, %add3A_415 : i32
        %min3A_417 = arith.constant 78 : i32
        %min3A_418 = arith.minsi %add3A_416, %min3A_417 : i32
        %add3A_419 = arith.addi %add3A_184, %mul3A_0 : i32
        %add3A_420 = arith.constant 40 : i32
        %add3A_421 = arith.addi %add3A_419, %add3A_420 : i32
        %min3A_422 = arith.constant 78 : i32
        %min3A_423 = arith.minsi %add3A_421, %min3A_422 : i32
        %ne3A_424 = arith.cmpi ne, %min3A_418, %min3A_423 : i32
        %or3A_425 = arith.constant false
        %or3A_426 = arith.ori %or3A_425, %ne3A_424 : i1
        %or3A_427 = arith.ori %or3A_426, %eq3A_162 : i1
        %add3A_428 = arith.constant 1 : i32
        %add3A_429 = arith.addi %scan3A_155, %add3A_428 : i32
        %select_n3A_430 = arith.select %or3A_427, %add3A_429, %scan3A_155 : i32
        %add3A_431 = arith.constant 1 : i32
        %add3A_432 = arith.addi %scan3A_158, %add3A_431 : i32
        %select_n3A_433 = arith.constant true
        %select_n3A_434 = arith.select %select_n3A_433, %add3A_432, %scan3A_158 : i32
        %eq3A_435 = arith.constant 20 : i32
        %eq3A_436 = arith.cmpi eq, %select_n3A_434, %eq3A_435 : i32
        %select_n3A_437 = arith.constant 0 : i32
        %select_n3A_438 = arith.select %eq3A_436, %select_n3A_437, %select_n3A_434 : i32
        scf.yield %select_n3A_205, %select_n3A_413, %select_n3A_231, %select_n3A_430, %select_n3A_352, %select_n3A_404, %select_n3A_438 : i32, i32, i32, i32, i32, i32, i32
      }
      %scan3A_99 = arith.constant 20 : i32
      %sub3A = arith.constant 1 : i32
      %sub3A_100 = arith.subi %scan3A_98#6, %sub3A : i32
      %select_n3A_101 = arith.constant true
      %select_n3A_102 = arith.select %select_n3A_101, %sub3A_100, %scan3A_98#6 : i32
      %eq3A_103 = arith.constant -1 : i32
      %eq3A_104 = arith.cmpi eq, %select_n3A_102, %eq3A_103 : i32
      %select_n3A_105 = arith.constant 19 : i32
      %select_n3A_106 = arith.select %eq3A_104, %select_n3A_105, %select_n3A_102 : i32
      %add3A_107 = arith.constant 0 : i32
      %add3A_108 = arith.addi %select_n3A_106, %add3A_107 : i32
      %sub3A_109 = arith.constant 1 : i32
      %sub3A_110 = arith.subi %select_n3A_106, %sub3A_109 : i32
      %select_n3A_111 = arith.constant true
      %select_n3A_112 = arith.select %select_n3A_111, %sub3A_110, %select_n3A_106 : i32
      %eq3A_113 = arith.constant -1 : i32
      %eq3A_114 = arith.cmpi eq, %select_n3A_112, %eq3A_113 : i32
      %select_n3A_115 = arith.constant 19 : i32
      %select_n3A_116 = arith.select %eq3A_114, %select_n3A_115, %select_n3A_112 : i32
      %add3A_117 = arith.constant 0 : i32
      %add3A_118 = arith.addi %select_n3A_116, %add3A_117 : i32
      %add3A_119 = arith.constant 1 : i32
      %add3A_120 = arith.addi %select_n3A_106, %add3A_119 : i32
      %select_n3A_121 = arith.constant true
      %select_n3A_122 = arith.select %select_n3A_121, %add3A_120, %select_n3A_106 : i32
      %eq3A_123 = arith.constant 20 : i32
      %eq3A_124 = arith.cmpi eq, %select_n3A_122, %eq3A_123 : i32
      %select_n3A_125 = arith.constant 0 : i32
      %select_n3A_126 = arith.select %eq3A_124, %select_n3A_125, %select_n3A_122 : i32
      %add3A_127 = arith.constant 0 : i32
      %add3A_128 = arith.addi %select_n3A_126, %add3A_127 : i32
      %add3A_129 = arith.constant 1 : i32
      %add3A_130 = arith.addi %select_n3A_126, %add3A_129 : i32
      %select_n3A_131 = arith.constant true
      %select_n3A_132 = arith.select %select_n3A_131, %add3A_130, %select_n3A_126 : i32
      %eq3A_133 = arith.constant 20 : i32
      %eq3A_134 = arith.cmpi eq, %select_n3A_132, %eq3A_133 : i32
      %select_n3A_135 = arith.constant 0 : i32
      %select_n3A_136 = arith.select %eq3A_134, %select_n3A_135, %select_n3A_132 : i32
      %add3A_137 = arith.constant 0 : i32
      %add3A_138 = arith.addi %select_n3A_136, %add3A_137 : i32
      "tpu.trace_start"() <{level = 10 : i32, message = "ep_finalize"}> : () -> ()
      %rem3A_139 = arith.constant 2 : i32
      %rem3A_140 = arith.remui %scan3A_98#5, %rem3A_139 : i32
      %add3A_141 = arith.addi %add3A_108, %mul3A_0 : i32
      %mul3A_142 = arith.constant 6400 : i32
      %mul3A_143 = arith.muli %mul3A_142, %add3A_141 : i32
      %dma_wait3A = tpu.memref_slice %run_scoped3A_5[%rem3A_140] : memref<2x!tpu.dma_semaphore, #tpu.memory_space<semaphore_mem>> -> memref<1x!tpu.dma_semaphore, #tpu.memory_space<semaphore_mem>>
      %dma_wait3A_144 = tpu.memref_squeeze %dma_wait3A : memref<1x!tpu.dma_semaphore, #tpu.memory_space<semaphore_mem>> -> memref<!tpu.dma_semaphore, #tpu.memory_space<semaphore_mem>>
      %dma_wait3A_145 = arith.constant 0 : i32
      %dma_wait3A_146 = tpu.memref_slice %arg2[%mul3A_143, %dma_wait3A_145] : memref<256000x128xi32, #tpu.memory_space<any>> -> memref<6400x128xi32, #tpu.memory_space<any>>
      %dma_wait3A_147 = arith.constant 0 : i32
      %dma_wait3A_148 = arith.constant 0 : i32
      %dma_wait3A_149 = tpu.memref_slice %run_scoped3A_4[%rem3A_140, %dma_wait3A_147, %dma_wait3A_148] : memref<2x6400x128xi32, #tpu.memory_space<vmem>> -> memref<1x6400x128xi32, #tpu.memory_space<vmem>>
      %dma_wait3A_150 = tpu.memref_squeeze %dma_wait3A_149 : memref<1x6400x128xi32, #tpu.memory_space<vmem>> -> memref<6400x128xi32, #tpu.memory_space<vmem>>
      tpu.wait_dma2 semaphore(%dma_wait3A_144 : memref<!tpu.dma_semaphore, #tpu.memory_space<semaphore_mem>>) src(%dma_wait3A_150 : memref<6400x128xi32, #tpu.memory_space<vmem>>) dst(%dma_wait3A_146 : memref<6400x128xi32, #tpu.memory_space<any>>)
      "tpu.trace_stop"() : () -> ()
      tpu.yield
    }) : () -> ()
    return
  }
}

module attributes {stable_mosaic.version = 14 : i64} {
  func.func @_mlp_body(%arg0: i32, %arg1: memref<2048x128xi32, #tpu.memory_space<vmem>>, %arg2: memref<2048x128xi32, #tpu.memory_space<vmem>>, %arg3: memref<2048x1xi32, #tpu.memory_space<vmem>>, %arg4: memref<2048x1xi32, #tpu.memory_space<vmem>>, %arg5: memref<2048x1xi32, #tpu.memory_space<vmem>>, %arg6: memref<2048x1xi32, #tpu.memory_space<vmem>>, %arg7: memref<64x128xf32, #tpu.memory_space<vmem>>, %arg8: memref<64x128xf32, #tpu.memory_space<vmem>>, %arg9: memref<1x128xf32, #tpu.memory_space<vmem>>, %arg10: memref<128x64xf32, #tpu.memory_space<vmem>>, %arg11: memref<1x64xf32, #tpu.memory_space<vmem>>, %arg12: memref<64x32xf32, #tpu.memory_space<vmem>>, %arg13: memref<1x32xf32, #tpu.memory_space<vmem>>, %arg14: memref<1x32xf32, #tpu.memory_space<vmem>>, %arg15: memref<1x1xf32, #tpu.memory_space<vmem>>, %arg16: memref<2048xf32, #tpu.memory_space<vmem>>) attributes {dimension_semantics = [#tpu.dimension_semantics<arbitrary>], iteration_bounds = array<i64: 8>, scalar_prefetch = 0 : i64, scratch_operands = 0 : i64, tpu.core_type = #tpu.core_type<tc>, window_params = [{transform_indices = @transform_0, window_bounds = array<i64: 2048, 128>}, {transform_indices = @transform_1, window_bounds = array<i64: 2048, 128>}, {transform_indices = @transform_2, window_bounds = array<i64: 2048, 1>}, {transform_indices = @transform_3, window_bounds = array<i64: 2048, 1>}, {transform_indices = @transform_4, window_bounds = array<i64: 2048, 1>}, {transform_indices = @transform_5, window_bounds = array<i64: 2048, 1>}, {pipeline_mode = #tpu.pipeline_mode<synchronous>, transform_indices = @transform_6, window_bounds = array<i64: 64, 128>}, {pipeline_mode = #tpu.pipeline_mode<synchronous>, transform_indices = @transform_7, window_bounds = array<i64: 64, 128>}, {pipeline_mode = #tpu.pipeline_mode<synchronous>, transform_indices = @transform_8, window_bounds = array<i64: 1, 128>}, {pipeline_mode = #tpu.pipeline_mode<synchronous>, transform_indices = @transform_9, window_bounds = array<i64: 128, 64>}, {pipeline_mode = #tpu.pipeline_mode<synchronous>, transform_indices = @transform_10, window_bounds = array<i64: 1, 64>}, {pipeline_mode = #tpu.pipeline_mode<synchronous>, transform_indices = @transform_11, window_bounds = array<i64: 64, 32>}, {pipeline_mode = #tpu.pipeline_mode<synchronous>, transform_indices = @transform_12, window_bounds = array<i64: 1, 32>}, {pipeline_mode = #tpu.pipeline_mode<synchronous>, transform_indices = @transform_13, window_bounds = array<i64: 1, 32>}, {pipeline_mode = #tpu.pipeline_mode<synchronous>, transform_indices = @transform_14, window_bounds = array<i64: 1, 1>}, {transform_indices = @transform_15, window_bounds = array<i64: 2048>}]} {
    %get3A = arith.constant 0 : index
    %get3A_0 = arith.constant 0 : index
    %get3A_1 = vector.load %arg1[%get3A, %get3A_0] : memref<2048x128xi32, #tpu.memory_space<vmem>>, vector<2048x128xi32>
    %get3A_2 = arith.constant 0 : index
    %get3A_3 = arith.constant 0 : index
    %get3A_4 = vector.load %arg3[%get3A_2, %get3A_3] : memref<2048x1xi32, #tpu.memory_space<vmem>>, vector<2048x1xi32>
    %get3A_5 = arith.constant 0 : index
    %get3A_6 = arith.constant 0 : index
    %get3A_7 = vector.load %arg4[%get3A_5, %get3A_6] : memref<2048x1xi32, #tpu.memory_space<vmem>>, vector<2048x1xi32>
    %gt3A = arith.constant 0 : i32
    %gt3A_8 = vector.broadcast %gt3A : i32 to vector<2048x1xi32>
    %gt3A_9 = arith.cmpi sgt, %get3A_4, %gt3A_8 : vector<2048x1xi32>
    %and3A = arith.constant -65536 : i32
    %and3A_10 = vector.broadcast %and3A : i32 to vector<2048x128xi32>
    %and3A_11 = arith.andi %get3A_1, %and3A_10 : vector<2048x128xi32>
    %shift_left3A = arith.constant 16 : i32
    %shift_left3A_12 = vector.broadcast %shift_left3A : i32 to vector<2048x128xi32>
    %shift_left3A_13 = arith.shli %get3A_1, %shift_left3A_12 : vector<2048x128xi32>
    %broadcast_in_dim3A = vector.shape_cast %gt3A_9 : vector<2048x1xi1> to vector<2048x1xi1>
    %broadcast_in_dim3A_14 = vector.broadcast %broadcast_in_dim3A : vector<2048x1xi1> to vector<2048x128xi1>
    %select_n3A = arith.select %broadcast_in_dim3A_14, %and3A_11, %shift_left3A_13 : vector<2048x128xi1>, vector<2048x128xi32>
    %bitcast_convert_type3A = tpu.bitcast %select_n3A : vector<2048x128xi32> -> vector<2048x128xf32>
    %gt3A_15 = arith.constant 0 : i32
    %gt3A_16 = vector.broadcast %gt3A_15 : i32 to vector<2048x1xi32>
    %gt3A_17 = arith.cmpi sgt, %get3A_7, %gt3A_16 : vector<2048x1xi32>
    %slice3A = vector.extract_strided_slice %bitcast_convert_type3A {offsets = [0, 64], sizes = [2048, 64], strides = [1, 1]} : vector<2048x128xf32> to vector<2048x64xf32>
    %slice3A_18 = vector.extract_strided_slice %bitcast_convert_type3A {offsets = [0, 0], sizes = [2048, 64], strides = [1, 1]} : vector<2048x128xf32> to vector<2048x64xf32>
    %broadcast_in_dim3A_19 = vector.shape_cast %gt3A_17 : vector<2048x1xi1> to vector<2048x1xi1>
    %broadcast_in_dim3A_20 = vector.broadcast %broadcast_in_dim3A_19 : vector<2048x1xi1> to vector<2048x64xi1>
    %select_n3A_21 = arith.select %broadcast_in_dim3A_20, %slice3A, %slice3A_18 : vector<2048x64xi1>, vector<2048x64xf32>
    %get3A_22 = arith.constant 0 : index
    %get3A_23 = arith.constant 0 : index
    %get3A_24 = vector.load %arg2[%get3A_22, %get3A_23] : memref<2048x128xi32, #tpu.memory_space<vmem>>, vector<2048x128xi32>
    %get3A_25 = arith.constant 0 : index
    %get3A_26 = arith.constant 0 : index
    %get3A_27 = vector.load %arg5[%get3A_25, %get3A_26] : memref<2048x1xi32, #tpu.memory_space<vmem>>, vector<2048x1xi32>
    %get3A_28 = arith.constant 0 : index
    %get3A_29 = arith.constant 0 : index
    %get3A_30 = vector.load %arg6[%get3A_28, %get3A_29] : memref<2048x1xi32, #tpu.memory_space<vmem>>, vector<2048x1xi32>
    %gt3A_31 = arith.constant 0 : i32
    %gt3A_32 = vector.broadcast %gt3A_31 : i32 to vector<2048x1xi32>
    %gt3A_33 = arith.cmpi sgt, %get3A_27, %gt3A_32 : vector<2048x1xi32>
    %and3A_34 = arith.constant -65536 : i32
    %and3A_35 = vector.broadcast %and3A_34 : i32 to vector<2048x128xi32>
    %and3A_36 = arith.andi %get3A_24, %and3A_35 : vector<2048x128xi32>
    %shift_left3A_37 = arith.constant 16 : i32
    %shift_left3A_38 = vector.broadcast %shift_left3A_37 : i32 to vector<2048x128xi32>
    %shift_left3A_39 = arith.shli %get3A_24, %shift_left3A_38 : vector<2048x128xi32>
    %broadcast_in_dim3A_40 = vector.shape_cast %gt3A_33 : vector<2048x1xi1> to vector<2048x1xi1>
    %broadcast_in_dim3A_41 = vector.broadcast %broadcast_in_dim3A_40 : vector<2048x1xi1> to vector<2048x128xi1>
    %select_n3A_42 = arith.select %broadcast_in_dim3A_41, %and3A_36, %shift_left3A_39 : vector<2048x128xi1>, vector<2048x128xi32>
    %bitcast_convert_type3A_43 = tpu.bitcast %select_n3A_42 : vector<2048x128xi32> -> vector<2048x128xf32>
    %gt3A_44 = arith.constant 0 : i32
    %gt3A_45 = vector.broadcast %gt3A_44 : i32 to vector<2048x1xi32>
    %gt3A_46 = arith.cmpi sgt, %get3A_30, %gt3A_45 : vector<2048x1xi32>
    %slice3A_47 = vector.extract_strided_slice %bitcast_convert_type3A_43 {offsets = [0, 64], sizes = [2048, 64], strides = [1, 1]} : vector<2048x128xf32> to vector<2048x64xf32>
    %slice3A_48 = vector.extract_strided_slice %bitcast_convert_type3A_43 {offsets = [0, 0], sizes = [2048, 64], strides = [1, 1]} : vector<2048x128xf32> to vector<2048x64xf32>
    %broadcast_in_dim3A_49 = vector.shape_cast %gt3A_46 : vector<2048x1xi1> to vector<2048x1xi1>
    %broadcast_in_dim3A_50 = vector.broadcast %broadcast_in_dim3A_49 : vector<2048x1xi1> to vector<2048x64xi1>
    %select_n3A_51 = arith.select %broadcast_in_dim3A_50, %slice3A_47, %slice3A_48 : vector<2048x64xi1>, vector<2048x64xf32>
    %get3A_52 = arith.constant 0 : index
    %get3A_53 = arith.constant 0 : index
    %get3A_54 = vector.load %arg7[%get3A_52, %get3A_53] : memref<64x128xf32, #tpu.memory_space<vmem>>, vector<64x128xf32>
    %dot_general3A = arith.constant dense<0.000000e+00> : vector<2048x128xf32>
    %dot_general3A_55 = tpu.matmul %select_n3A_21, %get3A_54, %dot_general3A {dimension_numbers = #tpu.dot_dimension_numbers<[1], [0], [0], [1], [0, 0, 1, 1], [], []>, transpose_lhs_hint = false} : vector<2048x64xf32>, vector<64x128xf32>, vector<2048x128xf32> -> vector<2048x128xf32>
    %get3A_56 = arith.constant 0 : index
    %get3A_57 = arith.constant 0 : index
    %get3A_58 = vector.load %arg8[%get3A_56, %get3A_57] : memref<64x128xf32, #tpu.memory_space<vmem>>, vector<64x128xf32>
    %dot_general3A_59 = arith.constant dense<0.000000e+00> : vector<2048x128xf32>
    %dot_general3A_60 = tpu.matmul %select_n3A_51, %get3A_58, %dot_general3A_59 {dimension_numbers = #tpu.dot_dimension_numbers<[1], [0], [0], [1], [0, 0, 1, 1], [], []>, transpose_lhs_hint = false} : vector<2048x64xf32>, vector<64x128xf32>, vector<2048x128xf32> -> vector<2048x128xf32>
    %add3A = arith.addf %dot_general3A_55, %dot_general3A_60 : vector<2048x128xf32>
    %get3A_61 = arith.constant 0 : index
    %get3A_62 = arith.constant 0 : index
    %get3A_63 = vector.load %arg9[%get3A_61, %get3A_62] : memref<1x128xf32, #tpu.memory_space<vmem>>, vector<1x128xf32>
    %add3A_64 = vector.broadcast %get3A_63 : vector<1x128xf32> to vector<2048x128xf32>
    %add3A_65 = arith.addf %add3A, %add3A_64 : vector<2048x128xf32>
    %max3A = arith.constant 0.000000e+00 : f32
    %max3A_66 = vector.broadcast %max3A : f32 to vector<2048x128xf32>
    %max3A_67 = arith.maximumf %add3A_65, %max3A_66 : vector<2048x128xf32>
    %get3A_68 = arith.constant 0 : index
    %get3A_69 = arith.constant 0 : index
    %get3A_70 = vector.load %arg10[%get3A_68, %get3A_69] : memref<128x64xf32, #tpu.memory_space<vmem>>, vector<128x64xf32>
    %dot_general3A_71 = arith.constant dense<0.000000e+00> : vector<2048x64xf32>
    %dot_general3A_72 = tpu.matmul %max3A_67, %get3A_70, %dot_general3A_71 {dimension_numbers = #tpu.dot_dimension_numbers<[1], [0], [0], [1], [0, 0, 1, 1], [], []>, transpose_lhs_hint = false} : vector<2048x128xf32>, vector<128x64xf32>, vector<2048x64xf32> -> vector<2048x64xf32>
    %get3A_73 = arith.constant 0 : index
    %get3A_74 = arith.constant 0 : index
    %get3A_75 = vector.load %arg11[%get3A_73, %get3A_74] : memref<1x64xf32, #tpu.memory_space<vmem>>, vector<1x64xf32>
    %add3A_76 = vector.broadcast %get3A_75 : vector<1x64xf32> to vector<2048x64xf32>
    %add3A_77 = arith.addf %dot_general3A_72, %add3A_76 : vector<2048x64xf32>
    %max3A_78 = arith.constant 0.000000e+00 : f32
    %max3A_79 = vector.broadcast %max3A_78 : f32 to vector<2048x64xf32>
    %max3A_80 = arith.maximumf %add3A_77, %max3A_79 : vector<2048x64xf32>
    %get3A_81 = arith.constant 0 : index
    %get3A_82 = arith.constant 0 : index
    %get3A_83 = vector.load %arg12[%get3A_81, %get3A_82] : memref<64x32xf32, #tpu.memory_space<vmem>>, vector<64x32xf32>
    %dot_general3A_84 = arith.constant dense<0.000000e+00> : vector<2048x32xf32>
    %dot_general3A_85 = tpu.matmul %max3A_80, %get3A_83, %dot_general3A_84 {dimension_numbers = #tpu.dot_dimension_numbers<[1], [0], [0], [1], [0, 0, 1, 1], [], []>, transpose_lhs_hint = false} : vector<2048x64xf32>, vector<64x32xf32>, vector<2048x32xf32> -> vector<2048x32xf32>
    %get3A_86 = arith.constant 0 : index
    %get3A_87 = arith.constant 0 : index
    %get3A_88 = vector.load %arg13[%get3A_86, %get3A_87] : memref<1x32xf32, #tpu.memory_space<vmem>>, vector<1x32xf32>
    %add3A_89 = vector.broadcast %get3A_88 : vector<1x32xf32> to vector<2048x32xf32>
    %add3A_90 = arith.addf %dot_general3A_85, %add3A_89 : vector<2048x32xf32>
    %max3A_91 = arith.constant 0.000000e+00 : f32
    %max3A_92 = vector.broadcast %max3A_91 : f32 to vector<2048x32xf32>
    %max3A_93 = arith.maximumf %add3A_90, %max3A_92 : vector<2048x32xf32>
    %get3A_94 = arith.constant 0 : index
    %get3A_95 = arith.constant 0 : index
    %get3A_96 = vector.load %arg14[%get3A_94, %get3A_95] : memref<1x32xf32, #tpu.memory_space<vmem>>, vector<1x32xf32>
    %mul3A = vector.broadcast %get3A_96 : vector<1x32xf32> to vector<2048x32xf32>
    %mul3A_97 = arith.mulf %max3A_93, %mul3A : vector<2048x32xf32>
    %reduce_sum3A = arith.constant dense<0.000000e+00> : vector<2048xf32>
    %reduce_sum3A_98 = vector.multi_reduction <add>, %mul3A_97, %reduce_sum3A [1] : vector<2048x32xf32> to vector<2048xf32>
    %get3A_99 = arith.constant 0 : index
    %get3A_100 = arith.constant 0 : index
    %get3A_101 = vector.load %arg15[%get3A_99, %get3A_100] : memref<1x1xf32, #tpu.memory_space<vmem>>, vector<1x1xf32>
    %get3A_102 = vector.extract %get3A_101[0, 0] : f32 from vector<1x1xf32>
    %add3A_103 = vector.broadcast %get3A_102 : f32 to vector<2048xf32>
    %add3A_104 = arith.addf %reduce_sum3A_98, %add3A_103 : vector<2048xf32>
    %logistic3A = arith.negf %add3A_104 : vector<2048xf32>
    %logistic3A_105 = math.exp %logistic3A : vector<2048xf32>
    %logistic3A_106 = arith.constant 1.000000e+00 : f32
    %logistic3A_107 = vector.broadcast %logistic3A_106 : f32 to vector<2048xf32>
    %logistic3A_108 = arith.addf %logistic3A_107, %logistic3A_105 : vector<2048xf32>
    %logistic3A_109 = arith.divf %logistic3A_107, %logistic3A_108 : vector<2048xf32>
    %swap3A = arith.constant 0 : index
    %swap3A_110 = vector.load %arg16[%swap3A] : memref<2048xf32, #tpu.memory_space<vmem>>, vector<2048xf32>
    tpu.vector_store %arg16[%swap3A], %logistic3A_109 {strides = array<i32>} : memref<2048xf32, #tpu.memory_space<vmem>>, vector<2048xf32>,
    return
  }
  func.func @transform_0(%arg0: i32) -> (i32, i32) {
    %c0_i32 = arith.constant 0 : i32
    %c0_i32_0 = arith.constant 0 : i32
    return %arg0, %c0_i32 : i32, i32
  }
  func.func @transform_1(%arg0: i32) -> (i32, i32) {
    %c0_i32 = arith.constant 0 : i32
    %c0_i32_0 = arith.constant 0 : i32
    return %arg0, %c0_i32 : i32, i32
  }
  func.func @transform_2(%arg0: i32) -> (i32, i32) {
    %c0_i32 = arith.constant 0 : i32
    %c0_i32_0 = arith.constant 0 : i32
    return %arg0, %c0_i32 : i32, i32
  }
  func.func @transform_3(%arg0: i32) -> (i32, i32) {
    %c0_i32 = arith.constant 0 : i32
    %c0_i32_0 = arith.constant 0 : i32
    return %arg0, %c0_i32 : i32, i32
  }
  func.func @transform_4(%arg0: i32) -> (i32, i32) {
    %c0_i32 = arith.constant 0 : i32
    %c0_i32_0 = arith.constant 0 : i32
    return %arg0, %c0_i32 : i32, i32
  }
  func.func @transform_5(%arg0: i32) -> (i32, i32) {
    %c0_i32 = arith.constant 0 : i32
    %c0_i32_0 = arith.constant 0 : i32
    return %arg0, %c0_i32 : i32, i32
  }
  func.func @transform_6(%arg0: i32) -> (i32, i32) {
    %c0_i32 = arith.constant 0 : i32
    %c0_i32_0 = arith.constant 0 : i32
    %c0_i32_1 = arith.constant 0 : i32
    return %c0_i32, %c0_i32_0 : i32, i32
  }
  func.func @transform_7(%arg0: i32) -> (i32, i32) {
    %c0_i32 = arith.constant 0 : i32
    %c0_i32_0 = arith.constant 0 : i32
    %c0_i32_1 = arith.constant 0 : i32
    return %c0_i32, %c0_i32_0 : i32, i32
  }
  func.func @transform_8(%arg0: i32) -> (i32, i32) {
    %c0_i32 = arith.constant 0 : i32
    %c0_i32_0 = arith.constant 0 : i32
    %c0_i32_1 = arith.constant 0 : i32
    return %c0_i32, %c0_i32_0 : i32, i32
  }
  func.func @transform_9(%arg0: i32) -> (i32, i32) {
    %c0_i32 = arith.constant 0 : i32
    %c0_i32_0 = arith.constant 0 : i32
    %c0_i32_1 = arith.constant 0 : i32
    return %c0_i32, %c0_i32_0 : i32, i32
  }
  func.func @transform_10(%arg0: i32) -> (i32, i32) {
    %c0_i32 = arith.constant 0 : i32
    %c0_i32_0 = arith.constant 0 : i32
    %c0_i32_1 = arith.constant 0 : i32
    return %c0_i32, %c0_i32_0 : i32, i32
  }
  func.func @transform_11(%arg0: i32) -> (i32, i32) {
    %c0_i32 = arith.constant 0 : i32
    %c0_i32_0 = arith.constant 0 : i32
    %c0_i32_1 = arith.constant 0 : i32
    return %c0_i32, %c0_i32_0 : i32, i32
  }
  func.func @transform_12(%arg0: i32) -> (i32, i32) {
    %c0_i32 = arith.constant 0 : i32
    %c0_i32_0 = arith.constant 0 : i32
    %c0_i32_1 = arith.constant 0 : i32
    return %c0_i32, %c0_i32_0 : i32, i32
  }
  func.func @transform_13(%arg0: i32) -> (i32, i32) {
    %c0_i32 = arith.constant 0 : i32
    %c0_i32_0 = arith.constant 0 : i32
    %c0_i32_1 = arith.constant 0 : i32
    return %c0_i32, %c0_i32_0 : i32, i32
  }
  func.func @transform_14(%arg0: i32) -> (i32, i32) {
    %c0_i32 = arith.constant 0 : i32
    %c0_i32_0 = arith.constant 0 : i32
    %c0_i32_1 = arith.constant 0 : i32
    return %c0_i32, %c0_i32_0 : i32, i32
  }
  func.func @transform_15(%arg0: i32) -> i32 {
    %c0_i32 = arith.constant 0 : i32
    return %arg0 : i32
  }
}

</mosaic_0001>

<sc_bundles>
// kernel: kernel.6.cloned.1.call-start
scs
__scs_entry_jumppad:
0x0: {  	(pc) =	sbr.rel $0x88, $3  }
0x1: {  	(tag) =	ssettag $0x0;
	lr =	simm.s32 $0x1  }
0x2: {  	[smem:$0x3F95] =	sst lr;
	_ =	strace $0xD0000000  }
0x3: {  	_ = 	snop  }
0x4: {  	_ = 	snop  }
0x5: {  	_ = 	snop  }
0x6: {  	_ = 	snop  }
0x7: {  	_ = 	snop  }
__scs_overlays_trampoline_lowered:
0x8: {  	[smem:$0x3FA4] =	sst s0  }
0x9: {  	[smem:$0x3FA5] =	sst s1  }
0xa: {  	[smem:$0x3FA6] =	sst s2  }
0xb: {  	[smem:$0x3FA7] =	sst s3  }
0xc: {  	[smem:$0x3FA8] =	sst s4  }
0xd: {  	[smem:$0x3FA9] =	sst s5  }
0xe: {  	[smem:$0x3FAA] =	sst s6  }
0xf: {  	[smem:$0x3FAB] =	sst s7  }
0x10: {  	[smem:$0x3FAC] =	sst s8  }
0x11: {  	[smem:$0x3FAD] =	sst s9;
	s0 =	simm.s32 @!p0 $0x0  }
0x12: {  	s1 =	sld [smem:$0x3F93];
	s0 =	simm.s32 @p0 $0x1  }
0x13: {  	[smem:$0x3FAE] =	sst s0;
	s0 =	simm.s32 @!p1 $0x0  }
0x14: {  	s2 =	sld [smem:$0x3F92];
	s0 =	simm.s32 @p1 $0x1  }
0x15: {  	[smem:$0x3FAF] =	sst s0;
	s0 =	simm.s32 @!p2 $0x0  }
0x16: {  	s3 =	sld [smem:$0x3FDB];
	s0 =	simm.s32 @p2 $0x1  }
0x17: {  	s4 =	simm.s32 $0x1BF5;
	[smem:$0x3FB1] =	sst s0  }
0x18: {  	s0 =	sld [smem:$0x3F94];
	_ =	swait.ge [sflag:s4], $0x0  }
0x19: {  	s7 =	sld [smem:$0x3F95]  }
0x1a: {  	s8 =	sadd.s32 $0xFFFFE003, lr  }
0x1b: {  	s9 =	sadd.s32 $0xFFFFFEF7, lr;
	s5 =	simm.s32 $0xFFFFFFFF;
	p2 =	slt.u32 s8, $0xFFFFF086  }
0x1c: {  	p1 =	slt.u32 s9, $0xF7A;
	s5 =	simm.s32 @!p2 $0x0  }
0x1d: {  	s5 =	simm.s32 @p1 $0x1;
	p0 =	seq.s32 s7, s2  }
0x1e: {  	s7 =	smul.u32 @!p0 $0xF7A, s2;
	p2 =	seq.s32 @!p0 s5, $0x0  }
0x1f: {  	s9 =	smul.u32 $0xF7A, s1;
	s8 =	simm.s32 @!p0 $0x1BF5;
	p2 =	por !p2, p0  }
0x20: {  	[sflag:s8] =	ssyncset.s32 @!p0 $0xFFFFF086;
	s6 =	sadd.s32 @!p0 s3, s7;
	s7 =	simm.s32 @!p0 $0x108  }
0x21: {  	s3 =	sadd.s32 s3, s9;
	s6 =	sadd.s32 @!p0 $0x88, s6;
	s7 =	simm.s32 @p2 $0x1082  }
0x22: {  	[simem:s7], [sflag:s8] =	dma.local @!p0 [hbm:s6], $0xF7A  }
0x23: {  	s9 =	sor.u32 $0xD0000000, s2;
	s6 =	simm.s32 $0x108;
	_ =	swait.ge @!p0 [sflag:s8], $0x0  }
0x24: {  	s3 =	sadd.s32 $0x88, s3;
	s6 =	simm.s32 @!p1 $0x1082;
	[sflag:s4] =	ssyncset.s32 $0xFFFFF086  }
0x25: {  	[simem:s6], [sflag:s4] =	dma.local [hbm:s3], $0xF7A  }
0x26: {  	[smem:$0x3F95] =	sst s1;
	(tag) =	ssettag s2;
	_ =	strace s9  }
0x27: {  	s1 =	sld [smem:$0x3FA5]  }
0x28: {  	s2 =	sld [smem:$0x3FA6]  }
0x29: {  	s4 =	sld [smem:$0x3FA8]  }
0x2a: {  	p0 =	seq.s32 s5, $0x0;
	s5 =	sld [smem:$0x3FA9]  }
0x2b: {  	s6 =	sld [smem:$0x3FAA]  }
0x2c: {  	s7 =	sld [smem:$0x3FAB]  }
0x2d: {  	s3 =	simm.s32 $0x108;
	s8 =	sld [smem:$0x3FAC]  }
0x2e: {  	s3 =	simm.s32 @!p0 $0x1082;
	s9 =	sld [smem:$0x3FAD]  }
0x2f: {  	lr =	sadd.s32 s0, s3;
	s0 =	sld [smem:$0x3FA4]  }
0x30: {  	s3 =	sld [smem:$0x3FA7]  }
0x31: {  	[smem:$0x3FB0] =	sst s10  }
0x32: {  	s10 =	sld [smem:$0x3FAE];
	_ =	sdelay $0x3  }
0x33: {  	p0 =	seq.s32 s10, $0x1;
	s10 =	sld [smem:$0x3FB0];
	_ =	sdelay $0x3  }
0x34: {  	[smem:$0x3FB0] =	sst s10  }
0x35: {  	s10 =	sld [smem:$0x3FAF];
	_ =	sdelay $0x3  }
0x36: {  	p1 =	seq.s32 s10, $0x1;
	s10 =	sld [smem:$0x3FB0];
	_ =	sdelay $0x3  }
0x37: {  	[smem:$0x3FB0] =	sst s10  }
0x38: {  	s10 =	sld [smem:$0x3FB1]  }
0x39: {  	_ = 	snop;
	(pc) =	sbr.ind lr, $3  }
0x3a: {  	_ = 	snop  }
0x3b: {  	_ = 	snop  }
0x3c: {  	p2 =	seq.s32 s10, $0x1;
	s10 =	sld [smem:$0x3FB0]  }
0x3d: {  	_ =	shalt  }
0x3e: {  	_ =	shalt  }
0x3f: {  	_ =	shalt  }
0x40: {  	_ =	shalt  }
0x41: {  	_ =	shalt  }
0x42: {  	_ =	shalt  }
0x43: {  	_ =	shalt  }
0x44: {  	_ =	shalt  }
0x45: {  	_ =	shalt  }
0x46: {  	_ =	shalt  }
0x47: {  	_ =	shalt  }
0x48: {  	_ =	shalt  }
0x49: {  	_ =	shalt  }
0x4a: {  	_ =	shalt  }
0x4b: {  	_ =	shalt  }
0x4c: {  	_ =	shalt  }
0x4d: {  	_ =	shalt  }
0x4e: {  	_ =	shalt  }
0x4f: {  	_ =	shalt  }
0x50: {  	_ =	shalt  }
0x51: {  	_ =	shalt  }
0x52: {  	_ =	shalt  }
0x53: {  	_ =	shalt  }
0x54: {  	_ =	shalt  }
0x55: {  	_ =	shalt  }
0x56: {  	_ =	shalt  }
0x57: {  	_ =	shalt  }
0x58: {  	_ =	shalt  }
0x59: {  	_ =	shalt  }
0x5a: {  	_ =	shalt  }
0x5b: {  	_ =	shalt  }
0x5c: {  	_ =	shalt  }
0x5d: {  	_ =	shalt  }
0x5e: {  	_ =	shalt  }
0x5f: {  	_ =	shalt  }
0x60: {  	_ =	shalt  }
0x61: {  	_ =	shalt  }
0x62: {  	_ =	shalt  }
0x63: {  	_ =	shalt  }
0x64: {  	_ =	shalt  }
0x65: {  	_ =	shalt  }
0x66: {  	_ =	shalt  }
0x67: {  	_ =	shalt  }
0x68: {  	_ =	shalt  }
0x69: {  	_ =	shalt  }
0x6a: {  	_ =	shalt  }
0x6b: {  	_ =	shalt  }
0x6c: {  	_ =	shalt  }
0x6d: {  	_ =	shalt  }
0x6e: {  	_ =	shalt  }
0x6f: {  	_ =	shalt  }
0x70: {  	_ =	shalt  }
0x71: {  	_ =	shalt  }
0x72: {  	_ =	shalt  }
0x73: {  	_ =	shalt  }
0x74: {  	_ =	shalt  }
0x75: {  	_ =	shalt  }
0x76: {  	_ =	shalt  }
0x77: {  	_ =	shalt  }
0x78: {  	_ =	shalt  }
0x79: {  	_ =	shalt  }
0x7a: {  	_ =	shalt  }
0x7b: {  	_ =	shalt  }
0x7c: {  	_ =	shalt  }
0x7d: {  	_ =	shalt  }
0x7e: {  	_ =	shalt  }
0x7f: {  	_ =	shalt  }
0x80: {  	_ =	shalt  }
0x81: {  	_ =	shalt  }
0x82: {  	_ =	shalt  }
0x83: {  	_ =	shalt  }
0x84: {  	_ =	shalt  }
0x85: {  	_ =	shalt  }
0x86: {  	_ =	shalt  }
0x87: {  	_ =	shalt  }
.Lfunc_end0:
.L_simem_size_0:
called_computation_lowered:
.L_overlay_start_0:
0x88: {  	s2 =	sld [smem:$0x3FD9]  }
0x89: {  	s3 =	sld [smem:$0x3FFE];
	_ =	sdelay $0x1  }
0x8a: {  	s1 =	srdreg.scid  }
0x8b: {  	s0 =	sand.u32 $0x1, s1  }
0x8c: {  	s16 =	sshll.u32 s0, $0xA;
	s2 =	sadd.s32 s3, s2  }
0x8d: {  	s2 =	sadd.s32 s2, s16  }
0x8e: {  	[smem:$0x3FBC] =	sst s2  }
0x8f: {  	_ = 	snop  }
0x90: {  	(tm) =	ssettm $0x1  }
0x91: {  	s17 =	sld [smem:$0x3FFB];
	_ =	sdelay $0x3  }
0x92: {  	_ =	strace s17  }
0x93: {  	s2 =	sld [smem:$0x3FFC];
	_ =	sdelay $0x3  }
0x94: {  	_ =	strace s2  }
0x95: {  	s2 =	sld [smem:$0x3FFD];
	_ =	sdelay $0x3  }
0x96: {  	_ =	strace s2  }
0x97: {  	_ =	strace $0x8FFFFFFF  }
0x98: {  	s18 =	sld [smem:$0x3FDB];
	_ =	sdelay $0x1  }
0x99: {  	s19 =	simm.s32 $_scs_section_size  }
0x9a: {  	s4 =	simm.s32 $_size__tile_overlayer_lowered;
	s5 =	simm.s32 $_tile_overlayer_lowered  }
0x9b: {  	s22 =	simm.s32 $0x1BFF;
	s21 =	sshll.u32 s5, $0x1;
	s2 =	sadd.s32 s19, s18  }
0x9c: {  	s6 =	simm.s32 $0x0;
	s20 =	sshll.u32 s4, $0x1;
	s4 =	sadd.s32 s21, s2  }
0x9d: {  	[timem:s6], [sflag:s22] =	dma.local [hbm:s4], s20  }
0x9e: {  	_ =	swait.ge [sflag:s22], s20  }
0x9f: {  	s3 =	ssub.s32 $0x0, s20;
	[sflag:s22] =	ssyncset.done $0x0  }
0xa0: {  	[sflag:s22] =	ssyncadd.s32 s3;
	_ =	sdelay $0x1  }
0xa1: {  	s23 =	simm.s32 $0x1B8B  }
0xa2: {  	_ =	swait.ge [sflag:s23], $0x1  }
0xa3: {  	[sflag:s23] =	ssyncset.done $0x0  }
0xa4: {  	s25 =	simm.s32 $0x1B8E;
	s24 =	sld [smem:$0x3FFE];
	[sflag:s23] =	ssyncadd.s32 $0xFFFFFFFF  }
0xa5: {  	s26 =	simm.s32 $execute0_lowered;
	[smem:$0x3FD2] =	sst s25  }
0xa6: {  	s4 =	sshll.u32 s26, $0x1;
	_ =	strace $0x80000046;
	[dreg:$0x1] =	wrdreg $0xFFFFFFFF  }
0xa7: {  	s28 =	simm.s32 $_size_execute0_lowered;
	s2 =	sadd.s32 s2, s4;
	[dreg:$0x0] =	wrdreg $0x0  }
0xa8: {  	s4 =	sshll.u32 s28, $0x1;
	[dreg:$0x2] =	wrdreg s2  }
0xa9: {  	[dreg:$0x3] =	wrdreg s4  }
0xaa: {  	[dreg:$0x4] =	wrdreg $0xC0  }
0xab: {  	_ =	task [dreg:s6], $0x5FFFF  }
0xac: {  	[dreg:$0x1] =	wrdreg $0xFFFFFFFF  }
0xad: {  	[dreg:$0x0] =	wrdreg $0x60  }
0xae: {  	[dreg:$0x2] =	wrdreg s24  }
0xaf: {  	[dreg:$0x3] =	wrdreg $0x9  }
0xb0: {  	_ =	task.clear_ibuf [dreg:s6], $0x4FFFF;
	_ =	strace $0x90000046  }
0xb1: {  	s29 =	simm.s32 $0x9;
	_ =	strace $0x80000048  }
0xb2: {  	_ =	swait.ge [sflag:s29], $0x1  }
0xb3: {  	[sflag:s29] =	ssyncadd.s32 $0xFFFFFFFF  }
0xb4: {  	_ =	strace $0x90000048  }
0xb5: {  	_ =	sfence  }
0xb6: {  	s30 =	sld [smem:$0x0];
	_ =	sdelay $0x2  }
0xb7: {  	s31 =	sshll.u32 s1, $0xD;
	s1 =	sshrl.u32 s1, $0x2  }
0xb8: {  	s3 =	sand.u32 $0x4000, s31;
	s1 =	sadd.s32 s1, s30  }
0xb9: {  	s0 =	sor.u32 s3, s0;
	s1 =	sshll.u32 s1, $0x11  }
0xba: {  	s0 =	sor.u32 s1, s0  }
0xbb: {  	s0 =	sadd.s32 $0x8F2B, s0  }
0xbc: {  	[sflag:s0] =	ssyncadd.remote.s32 $0x1  }
0xbd: {  	_ =	sfence.sel $0xFFFF  }
0xbe: {  	[dreg:$0x0] =	wrdreg $0xFFFFFFFF;
	(pc) =	sbr.abs _section_cstart, $3  }
0xbf: {  	[dreg:$0x1] =	wrdreg $0xFFFFFFFF  }
0xc0: {  	_ =	task.clear_ibuf [dreg:s6], $0x2FFFF;
	_ =	strace $0x9FFFFFFF  }
0xc1: {  	(tm) =	ssettm $0x7FFFFFFF  }
tec
execute0_lowered:
.L_overlay_start_1:
0x0: {  	(tag) =	ssettag $0x1  }
0x1: {  	s1 =	srdreg.scid  }
0x2: {  	s0 =	stileid.u32;
	s26 =	sand.u32 $0x1, s1  }
0x3: {  	s31 =	sshll.u32 s0, $0xA;
	s2 =	sshll.u32 s26, $0x9  }
0x4: {  	s17 =	rddreg [dreg:$0x0];
	s16 =	sor.u32 s2, s31  }
0x5: {  	s1 =	rddreg [dreg:$0x1];
	s2 =	simm.s32 $0x0;
	s3 =	sshrl.u32 s16, $0x3  }
0x6: {  	[smem:$0x7FF] =	sst s2;
	s5 =	sadd.s32 s3, s17  }
0x7: {  	_ =	strace $0x80000047;
	s3 =	simm.s32 $0x2;
	s4 =	sadd.s32 $0x2800, s5  }
0x8: {  	[tilespmem:s2], [sflag:$0x2] =	stream.linear.gather [hbm4b:s4+s2], $0x200, $0x38;
	[tilespmem:$0x10400] =	vst v63  }
0x9: {  	_ =	swait.ge [sflag:s3], $0x200  }
0xa: {  	[sflag:s3] =	ssyncset.done $0x0  }
0xb: {  	s6 =	simm.s32 $0x200;
	s5 =	sadd.s32 $0x3800, s5;
	[sflag:s3] =	ssyncadd.s32 $0xFFFFFE00  }
0xc: {  	[tilespmem:s6], [sflag:$0x2] =	stream.linear.gather [hbm4b:s5+s2], $0x200, $0x38;
	[tilespmem:$0x10400] =	vst v63  }
0xd: {  	_ =	swait.ge [sflag:s3], $0x200  }
0xe: {  	s8 =	simm.s32 $0x80;
	[sflag:s3] =	ssyncset.done $0x0  }
0xf: {  	s9 =	simm.s32 $0x400;
	s7 =	sadd.s32 $0x4000, s17;
	[sflag:s3] =	ssyncadd.s32 $0xFFFFFE00  }
0x10: {  	[tilespmem:s9], [sflag:$0x1] =	stream.indirect.gather [hbm4b:s7+s8], $0x80, s2, s8, $0xb8;
	[tilespmem:$0x10400] =	vst v63  }
0x11: {  	s11 =	simm.s32 $0x8400;
	s10 =	sadd.s32 $0x3EC000, s17  }
0x12: {  	[tilespmem:s11], [sflag:$0x1] =	stream.indirect.gather [hbm4b:s10+s8], $0x80, s6, s8, $0xb8;
	[tilespmem:$0x10400] =	vst v63  }
0x13: {  	s12 =	simm.s32 $0x4400  }
0x14: {  	[tilespmem:s12], [sflag:$0x1] =	stream.indirect.gather [hbm4b:s7+s8], $0x80, s8, s8, $0xb8;
	[tilespmem:$0x10400] =	vst v63  }
0x15: {  	s13 =	simm.s32 $0x280;
	s14 =	simm.s32 $0xC400;
	s15 =	simm.s32 $0x1  }
0x16: {  	[tilespmem:s14], [sflag:$0x1] =	stream.indirect.gather [hbm4b:s10+s8], $0x80, s13, s8, $0xb8;
	[tilespmem:$0x10400] =	vst v63  }
0x17: {  	_ =	swait.ge [sflag:s15], $0x4000  }
0x18: {  	[sflag:s15] =	ssyncset.done $0x0  }
0x19: {  	[sflag:s15] =	ssyncadd.s32 $0xFFFFC000  }
0x1a: {  	_ =	swait.ge [sflag:s15], $0x4000  }
0x1b: {  	s28 =	sadd.s32 $0x7D4000, s17;
	s30 =	sshll.u32 s16, $0x4;
	[sflag:s15] =	ssyncset.done $0x0  }
0x1c: {  	s16 =	sadd.s32 s28, s30;
	[sflag:s15] =	ssyncadd.s32 $0xFFFFC000  }
0x1d: {  	[hbm4b:s16+s2] =	stream.linear.scatter [tilespmem:s9], [sflag:$0x2], $0x4000, $0x38;
	[tilespmem:$0x10400] =	vst v63  }
0x1e: {  	_ =	swait.ge [sflag:s3], $0x4000  }
0x1f: {  	s29 =	sadd.s32 $0x814000, s17;
	[sflag:s3] =	ssyncset.done $0x0  }
0x20: {  	s17 =	sadd.s32 s29, s30;
	[sflag:s3] =	ssyncadd.s32 $0xFFFFC000  }
0x21: {  	[hbm4b:s17+s2] =	stream.linear.scatter [tilespmem:s11], [sflag:$0x2], $0x4000, $0x38;
	[tilespmem:$0x10400] =	vst v63  }
0x22: {  	_ =	swait.ge [sflag:s3], $0x4000  }
0x23: {  	[sflag:s3] =	ssyncset.done $0x0  }
0x24: {  	s18 =	simm.s32 $0x100;
	[sflag:s3] =	ssyncadd.s32 $0xFFFFC000  }
0x25: {  	[tilespmem:s9], [sflag:$0x1] =	stream.indirect.gather [hbm4b:s7+s8], $0x80, s18, s8, $0xb8;
	[tilespmem:$0x10400] =	vst v63  }
0x26: {  	s19 =	simm.s32 $0x300  }
0x27: {  	[tilespmem:s11], [sflag:$0x1] =	stream.indirect.gather [hbm4b:s10+s8], $0x80, s19, s8, $0xb8;
	[tilespmem:$0x10400] =	vst v63  }
0x28: {  	_ =	swait.ge [sflag:s15], $0x4000  }
0x29: {  	[sflag:s15] =	ssyncset.done $0x0  }
0x2a: {  	[sflag:s15] =	ssyncadd.s32 $0xFFFFC000  }
0x2b: {  	_ =	swait.ge [sflag:s15], $0x4000  }
0x2c: {  	s21 =	sor.u32 $0x800, s30;
	[sflag:s15] =	ssyncset.done $0x0  }
0x2d: {  	s20 =	sadd.s32 s28, s21;
	[sflag:s15] =	ssyncadd.s32 $0xFFFFC000  }
0x2e: {  	[hbm4b:s20+s2] =	stream.linear.scatter [tilespmem:s12], [sflag:$0x2], $0x4000, $0x38;
	[tilespmem:$0x10400] =	vst v63  }
0x2f: {  	_ =	swait.ge [sflag:s3], $0x4000  }
0x30: {  	[sflag:s3] =	ssyncset.done $0x0  }
0x31: {  	s21 =	sadd.s32 s29, s21;
	[sflag:s3] =	ssyncadd.s32 $0xFFFFC000  }
0x32: {  	[hbm4b:s21+s2] =	stream.linear.scatter [tilespmem:s14], [sflag:$0x2], $0x4000, $0x38;
	[tilespmem:$0x10400] =	vst v63  }
0x33: {  	_ =	swait.ge [sflag:s3], $0x4000  }
0x34: {  	[sflag:s3] =	ssyncset.done $0x0  }
0x35: {  	s22 =	simm.s32 $0x180;
	[sflag:s3] =	ssyncadd.s32 $0xFFFFC000  }
0x36: {  	[tilespmem:s12], [sflag:$0x1] =	stream.indirect.gather [hbm4b:s7+s8], $0x80, s22, s8, $0xb8;
	[tilespmem:$0x10400] =	vst v63  }
0x37: {  	s23 =	simm.s32 $0x380  }
0x38: {  	[tilespmem:s14], [sflag:$0x1] =	stream.indirect.gather [hbm4b:s10+s8], $0x80, s23, s8, $0xb8;
	[tilespmem:$0x10400] =	vst v63  }
0x39: {  	_ =	swait.ge [sflag:s15], $0x4000  }
0x3a: {  	[sflag:s15] =	ssyncset.done $0x0  }
0x3b: {  	[sflag:s15] =	ssyncadd.s32 $0xFFFFC000  }
0x3c: {  	_ =	swait.ge [sflag:s15], $0x4000  }
0x3d: {  	s25 =	sor.u32 $0x1000, s30;
	[sflag:s15] =	ssyncset.done $0x0  }
0x3e: {  	s24 =	sadd.s32 s28, s25;
	[sflag:s15] =	ssyncadd.s32 $0xFFFFC000  }
0x3f: {  	[hbm4b:s24+s2] =	stream.linear.scatter [tilespmem:s9], [sflag:$0x2], $0x4000, $0x38;
	[tilespmem:$0x10400] =	vst v63  }
0x40: {  	_ =	swait.ge [sflag:s3], $0x4000  }
0x41: {  	[sflag:s3] =	ssyncset.done $0x0  }
0x42: {  	s25 =	sadd.s32 s29, s25;
	[sflag:s3] =	ssyncadd.s32 $0xFFFFC000  }
0x43: {  	[hbm4b:s25+s2] =	stream.linear.scatter [tilespmem:s11], [sflag:$0x2], $0x4000, $0x38;
	[tilespmem:$0x10400] =	vst v63  }
0x44: {  	_ =	swait.ge [sflag:s3], $0x4000  }
0x45: {  	[sflag:s3] =	ssyncset.done $0x0  }
0x46: {  	[sflag:s3] =	ssyncadd.s32 $0xFFFFC000  }
0x47: {  	_ =	swait.ge [sflag:s15], $0x4000  }
0x48: {  	[sflag:s15] =	ssyncset.done $0x0  }
0x49: {  	s31 =	ssub.s32 $0x2, s26;
	s30 =	sor.u32 $0x1800, s30;
	[sflag:s15] =	ssyncadd.s32 $0xFFFFC000  }
0x4a: {  	s26 =	sadd.s32 s28, s30;
	s28 =	sshrl.u32 s31, $0x1;
	_ =	swait.ge [sflag:s15], $0x4000  }
0x4b: {  	s31 =	ssub.s32 s31, s28;
	[sflag:s15] =	ssyncset.done $0x0  }
0x4c: {  	s28 =	sadd.s32 s29, s30;
	s29 =	smax.u32 s31, $0x1;
	[sflag:s15] =	ssyncadd.s32 $0xFFFFC000  }
0x4d: {  	[hbm4b:s26+s2] =	stream.linear.scatter [tilespmem:s12], [sflag:$0x2], $0x4000, $0x38;
	[tilespmem:$0x10400] =	vst v63  }
0x4e: {  	p0 =	sne.s32 s29, $0x1;
	_ =	swait.ge [sflag:s3], $0x4000  }
.Ltmp0:
0x4f: {  	[sflag:s3] =	ssyncset.done $0x0;
	(pc) =	sbr.rel @!p0 .LBB2_2-.Ltmp0, $4  }
0x50: {  	[sflag:s3] =	ssyncadd.s32 $0xFFFFC000  }
0x51: {  	[hbm4b:s28+s2] =	stream.linear.scatter [tilespmem:s14], [sflag:$0x2], $0x4000, $0x38;
	[tilespmem:$0x10400] =	vst v63  }
0x52: {  	_ =	swait.ge [sflag:s3], $0x4000  }
0x53: {  	s29 =	sadd.s32 $0xFFFFFFFF, s29;
	[sflag:s3] =	ssyncset.done $0x0  }
.LBB2_1:
0x54: {  	p0 =	sne.s32 s29, $0x1;
	s29 =	sadd.s32 $0xFFFFFFFF, s29;
	[sflag:s3] =	ssyncadd.s32 $0xFFFFC000  }
0x55: {  	[tilespmem:s2], [sflag:$0x2] =	stream.linear.gather [hbm4b:s4+s2], $0x200, $0x38;
	[tilespmem:$0x10400] =	vst v63  }
0x56: {  	_ =	swait.ge [sflag:s3], $0x200  }
0x57: {  	[sflag:s3] =	ssyncset.done $0x0  }
0x58: {  	[sflag:s3] =	ssyncadd.s32 $0xFFFFFE00  }
0x59: {  	[tilespmem:s6], [sflag:$0x2] =	stream.linear.gather [hbm4b:s5+s2], $0x200, $0x38;
	[tilespmem:$0x10400] =	vst v63  }
0x5a: {  	_ =	swait.ge [sflag:s3], $0x200  }
0x5b: {  	[sflag:s3] =	ssyncset.done $0x0  }
0x5c: {  	[sflag:s3] =	ssyncadd.s32 $0xFFFFFE00  }
0x5d: {  	[tilespmem:s9], [sflag:$0x1] =	stream.indirect.gather [hbm4b:s7+s8], $0x80, s2, s8, $0xb8;
	[tilespmem:$0x10400] =	vst v63  }
0x5e: {  	_ = 	snop  }
0x5f: {  	[tilespmem:s11], [sflag:$0x1] =	stream.indirect.gather [hbm4b:s10+s8], $0x80, s6, s8, $0xb8;
	[tilespmem:$0x10400] =	vst v63  }
0x60: {  	_ = 	snop  }
0x61: {  	[tilespmem:s12], [sflag:$0x1] =	stream.indirect.gather [hbm4b:s7+s8], $0x80, s8, s8, $0xb8;
	[tilespmem:$0x10400] =	vst v63  }
0x62: {  	_ = 	snop  }
0x63: {  	[tilespmem:s14], [sflag:$0x1] =	stream.indirect.gather [hbm4b:s10+s8], $0x80, s13, s8, $0xb8;
	[tilespmem:$0x10400] =	vst v63  }
0x64: {  	_ =	swait.ge [sflag:s15], $0x4000  }
0x65: {  	[sflag:s15] =	ssyncset.done $0x0  }
0x66: {  	[sflag:s15] =	ssyncadd.s32 $0xFFFFC000  }
0x67: {  	_ =	swait.ge [sflag:s15], $0x4000  }
0x68: {  	[sflag:s15] =	ssyncset.done $0x0  }
0x69: {  	[sflag:s15] =	ssyncadd.s32 $0xFFFFC000  }
0x6a: {  	[hbm4b:s16+s2] =	stream.linear.scatter [tilespmem:s9], [sflag:$0x2], $0x4000, $0x38;
	[tilespmem:$0x10400] =	vst v63  }
0x6b: {  	_ =	swait.ge [sflag:s3], $0x4000  }
0x6c: {  	[sflag:s3] =	ssyncset.done $0x0  }
0x6d: {  	[sflag:s3] =	ssyncadd.s32 $0xFFFFC000  }
0x6e: {  	[hbm4b:s17+s2] =	stream.linear.scatter [tilespmem:s11], [sflag:$0x2], $0x4000, $0x38;
	[tilespmem:$0x10400] =	vst v63  }
0x6f: {  	_ =	swait.ge [sflag:s3], $0x4000  }
0x70: {  	[sflag:s3] =	ssyncset.done $0x0  }
0x71: {  	[sflag:s3] =	ssyncadd.s32 $0xFFFFC000  }
0x72: {  	[tilespmem:s9], [sflag:$0x1] =	stream.indirect.gather [hbm4b:s7+s8], $0x80, s18, s8, $0xb8;
	[tilespmem:$0x10400] =	vst v63  }
0x73: {  	_ = 	snop  }
0x74: {  	[tilespmem:s11], [sflag:$0x1] =	stream.indirect.gather [hbm4b:s10+s8], $0x80, s19, s8, $0xb8;
	[tilespmem:$0x10400] =	vst v63  }
0x75: {  	_ =	swait.ge [sflag:s15], $0x4000  }
0x76: {  	[sflag:s15] =	ssyncset.done $0x0  }
0x77: {  	[sflag:s15] =	ssyncadd.s32 $0xFFFFC000  }
0x78: {  	_ =	swait.ge [sflag:s15], $0x4000  }
0x79: {  	[sflag:s15] =	ssyncset.done $0x0  }
0x7a: {  	[sflag:s15] =	ssyncadd.s32 $0xFFFFC000  }
0x7b: {  	[hbm4b:s20+s2] =	stream.linear.scatter [tilespmem:s12], [sflag:$0x2], $0x4000, $0x38;
	[tilespmem:$0x10400] =	vst v63  }
0x7c: {  	_ =	swait.ge [sflag:s3], $0x4000  }
0x7d: {  	[sflag:s3] =	ssyncset.done $0x0  }
0x7e: {  	[sflag:s3] =	ssyncadd.s32 $0xFFFFC000  }
0x7f: {  	[hbm4b:s21+s2] =	stream.linear.scatter [tilespmem:s14], [sflag:$0x2], $0x4000, $0x38;
	[tilespmem:$0x10400] =	vst v63  }
0x80: {  	_ =	swait.ge [sflag:s3], $0x4000  }
0x81: {  	[sflag:s3] =	ssyncset.done $0x0  }
0x82: {  	[sflag:s3] =	ssyncadd.s32 $0xFFFFC000  }
0x83: {  	[tilespmem:s12], [sflag:$0x1] =	stream.indirect.gather [hbm4b:s7+s8], $0x80, s22, s8, $0xb8;
	[tilespmem:$0x10400] =	vst v63  }
0x84: {  	_ = 	snop  }
0x85: {  	[tilespmem:s14], [sflag:$0x1] =	stream.indirect.gather [hbm4b:s10+s8], $0x80, s23, s8, $0xb8;
	[tilespmem:$0x10400] =	vst v63  }
0x86: {  	_ =	swait.ge [sflag:s15], $0x4000  }
0x87: {  	[sflag:s15] =	ssyncset.done $0x0  }
0x88: {  	[sflag:s15] =	ssyncadd.s32 $0xFFFFC000  }
0x89: {  	_ =	swait.ge [sflag:s15], $0x4000  }
0x8a: {  	[sflag:s15] =	ssyncset.done $0x0  }
0x8b: {  	[sflag:s15] =	ssyncadd.s32 $0xFFFFC000  }
0x8c: {  	[hbm4b:s24+s2] =	stream.linear.scatter [tilespmem:s9], [sflag:$0x2], $0x4000, $0x38;
	[tilespmem:$0x10400] =	vst v63  }
0x8d: {  	_ =	swait.ge [sflag:s3], $0x4000  }
0x8e: {  	[sflag:s3] =	ssyncset.done $0x0  }
0x8f: {  	[sflag:s3] =	ssyncadd.s32 $0xFFFFC000  }
0x90: {  	[hbm4b:s25+s2] =	stream.linear.scatter [tilespmem:s11], [sflag:$0x2], $0x4000, $0x38;
	[tilespmem:$0x10400] =	vst v63  }
0x91: {  	_ =	swait.ge [sflag:s3], $0x4000  }
0x92: {  	[sflag:s3] =	ssyncset.done $0x0  }
0x93: {  	[sflag:s3] =	ssyncadd.s32 $0xFFFFC000  }
0x94: {  	_ =	swait.ge [sflag:s15], $0x4000  }
0x95: {  	[sflag:s15] =	ssyncset.done $0x0  }
0x96: {  	[sflag:s15] =	ssyncadd.s32 $0xFFFFC000  }
0x97: {  	_ =	swait.ge [sflag:s15], $0x4000  }
0x98: {  	[sflag:s15] =	ssyncset.done $0x0  }
0x99: {  	[sflag:s15] =	ssyncadd.s32 $0xFFFFC000  }
0x9a: {  	[hbm4b:s26+s2] =	stream.linear.scatter [tilespmem:s12], [sflag:$0x2], $0x4000, $0x38;
	[tilespmem:$0x10400] =	vst v63  }
0x9b: {  	_ =	swait.ge [sflag:s3], $0x4000  }
.Ltmp1:
0x9c: {  	[sflag:s3] =	ssyncset.done $0x0;
	(pc) =	sbr.rel @p0 .LBB2_1-.Ltmp1, $4  }
0x9d: {  	[sflag:s3] =	ssyncadd.s32 $0xFFFFC000  }
0x9e: {  	[hbm4b:s28+s2] =	stream.linear.scatter [tilespmem:s14], [sflag:$0x2], $0x4000, $0x38;
	[tilespmem:$0x10400] =	vst v63  }
0x9f: {  	_ =	swait.ge [sflag:s3], $0x4000  }
0xa0: {  	[sflag:s3] =	ssyncset.done $0x0  }
.LBB2_2:
0xa1: {  	[sflag:s3] =	ssyncadd.s32 $0xFFFFC000  }
0xa2: {  	_ =	sfence.sel $0x180000  }
0xa3: {  	[bflag:$0x0] =	sbarrier.arrive $0xFFFF  }
0xa4: {  	p0 =	sne.s32 s0, $0x0;
	_ =	strace $0x90000047  }
0xa5: {  	s0 =	sadd.s32 @!p0 $0x100000, s1;
	[bflag:$0x2] =	sbarrier.arrive $0xFFFF  }
0xa6: {  	[sflag:s0] =	ssyncadd.tile.s32 @!p0 $0x1;
	_ =	shalt  }
.Lfunc_end2:
_tile_overlayer_lowered:
.L_overlay_start_2:
0xa7: {  	(tag) =	ssettag $0x2  }
0xa8: {  	s0 =	rddreg [dreg:$0x0];
	s2 =	stileid.u32  }
0xa9: {  	s1 =	rddreg [dreg:$0x1];
	p0 =	sne.s32 s2, $0x0  }
0xaa: {  	s3 =	rddreg [dreg:$0x2];
	[bflag:$0x3] =	sbarrier.arrive $0xFFFF;
	s2 =	simm.s32 @!p0 $0x1C02  }
0xab: {  	[timem:s3], [sflag:s2] =	dma.local @!p0 [hbm:s0], s1  }
0xac: {  	s0 =	simm.s32 @!p0 $0x2  }
0xad: {  	_ =	swait.ge @!p0 [sflag:s0], s1  }
0xae: {  	s1 =	ssub.s32 @!p0 $0x0, s1;
	[sflag:s0] =	ssyncset.done @!p0 $0x0  }
0xaf: {  	[sflag:s0] =	ssyncadd.s32 @!p0 s1  }
0xb0: {  	[bflag:$0x3] =	sbarrier.arrive $0xFFFF  }
0xb1: {  	_ =	shalt  }

</sc_bundles>
